<compile_context>
chip_gen: v7x
topology: tpu7x:2x2x1
jax: 0.10.2.dev20260603
libtpu: 0.0.44.dev20260713+nightly
codegen_flags: <defaults>
</compile_context>

<pallas_src>
import functools

import jax
import jax.numpy as jnp
from jax import lax
from jax.experimental import pallas as pl
from jax.experimental.pallas import tpu as pltpu
from jax.experimental.pallas import tpu_sc as plsc

_B, _S, _N, _E = 2, 48, 49, 48
_DIN, _DOUT, _DE = 128, 128, 16
_G = _B * _S
_NP = 128
_NR = 56
_AFLAT = _NR * _NP
_UP = 56
_NW = 32
_GPW = _G // _NW
_CH = _E // 16
_PG = 32
_UVEA = 2 * _UP + _E
_RPG = 784
_PGC = 16


def _stage_a1_body(x_ref, ea_ref, w_ref, a12_ref, a3_ref, uvea_ref):
    dn = (((1,), (1,)), ((), ()))
    wa = lax.dot_general(a12_ref[...], w_ref[...], dn,
                         preferred_element_type=jnp.float32)
    uv = lax.dot_general(wa, x_ref[...], dn,
                         preferred_element_type=jnp.float32)
    ea = lax.dot_general(a3_ref[...], ea_ref[...], dn,
                         preferred_element_type=jnp.float32)
    for i in range(_PG):
        uvea_ref[i, :, :_N] = uv[0:1, i * _N:(i + 1) * _N]
        uvea_ref[i, :, _UP:_UP + _N] = uv[1:2, i * _N:(i + 1) * _N]
        uvea_ref[i, :, 2 * _UP:2 * _UP + _E] = ea[:, i * _E:(i + 1) * _E]


def _stage_a2_body(x_ref, w_ref, o_ref):
    o_ref[...] = jnp.dot(x_ref[...], w_ref[...],
                         preferred_element_type=jnp.float32)


def _sc_attn_body(uvea_hbm, idx_hbm, out_hbm,
                  u0, u1, i0, i1, acc_v, su0, su1, si0, si1):
    wid = lax.axis_index("s") * 2 + lax.axis_index("c")
    ubufs, usems = (u0, u1), (su0, su1)
    ibufs, isems = (i0, i1), (si0, si1)
    g0 = wid * _GPW
    zero16 = jnp.zeros((16,), jnp.float32)
    cps = {0: (pltpu.async_copy(uvea_hbm.at[pl.ds(g0 * _UVEA, _UVEA)],
                                u0, su0),
               pltpu.async_copy(idx_hbm.at[pl.ds(g0 * 2 * _E, 2 * _E)],
                                i0, si0))}

    def _zero(i, carry):
        acc_v[pl.ds(i * 64, 16)] = zero16
        acc_v[pl.ds(i * 64 + 16, 16)] = zero16
        acc_v[pl.ds(i * 64 + 32, 16)] = zero16
        acc_v[pl.ds(i * 64 + 48, 16)] = zero16
        return carry
    lax.fori_loop(0, _AFLAT // 64, _zero, 0)
    for j in range(_GPW):
        g = g0 + j
        if j + 1 < _GPW:
            gn, b = g + 1, (j + 1) % 2
            cps[j + 1] = (
                pltpu.async_copy(uvea_hbm.at[pl.ds(gn * _UVEA, _UVEA)],
                                 ubufs[b], usems[b]),
                pltpu.async_copy(idx_hbm.at[pl.ds(gn * 2 * _E, 2 * _E)],
                                 ibufs[b], isems[b]))
        cu, ci = cps.pop(j)
        cu.wait()
        ci.wait()
        uvea_v, idx_v = ubufs[j % 2], ibufs[j % 2]

        es, svs, tvs = [], [], []
        for c in range(_CH):
            sv = idx_v[pl.ds(c * 16, 16)]
            tv = idx_v[pl.ds(_E + c * 16, 16)]
            us = plsc.load_gather(uvea_v, [sv])
            vt = plsc.load_gather(uvea_v, [tv + _UP])
            e = us + vt + uvea_v[pl.ds(2 * _UP + c * 16, 16)]
            e = jnp.where(e > 0, e, 0.2 * e)
            es.append(e)
            svs.append(sv)
            tvs.append(tv)
        m = jnp.max(jnp.maximum(jnp.maximum(es[0], es[1]), es[2]))
        ps = [jnp.exp(e - m) for e in es]
        tot = jnp.broadcast_to(jnp.sum(ps[0] + ps[1] + ps[2]), (16,))
        idxs = []
        for c in range(_CH):
            alpha = ps[c] / tot
            i1x = tvs[c] * _NP + svs[c]
            i2x = svs[c] * _NP + tvs[c]
            plsc.addupdate_scatter(acc_v, [i1x], alpha)
            plsc.addupdate_scatter(acc_v, [i2x], alpha)
            idxs.append(i1x)
            idxs.append(i2x)
        pltpu.sync_copy(acc_v.at[pl.ds(0, _AFLAT)],
                        out_hbm.at[pl.ds(g * _AFLAT, _AFLAT)])
        for i12 in idxs:
            plsc.store_scatter(acc_v, [i12], zero16)


def _stage_c_body(a_ref, hp_ref, o_ref):
    for i in range(_PGC):
        adj = a_ref[i][:_N, :_N]
        agg = jnp.dot(adj, hp_ref[i], preferred_element_type=jnp.float32)
        o_ref[i] = jnp.where(agg > 0, agg,
                             jnp.exp(jnp.minimum(agg, 0.0)) - 1.0)


def kernel(x, edge_index, edge_attr, node_mask, edge_mask, W, a):
    del node_mask, edge_mask
    xf = x.reshape(_G * _N, _DIN)
    idx = jnp.swapaxes(edge_index, -1, -2).astype(jnp.int32).reshape(_G * 2 * _E)
    eaf = edge_attr.reshape(_G * _E, _DE)
    a12 = a[:2 * _DOUT, 0].reshape(2, _DOUT)
    a3 = a[2 * _DOUT:, 0].reshape(1, _DE)

    uvea3 = pl.pallas_call(
        _stage_a1_body,
        grid=(_G // _PG,),
        in_specs=[
            pl.BlockSpec((_PG * _N, _DIN), lambda g: (g, 0)),
            pl.BlockSpec((_PG * _E, _DE), lambda g: (g, 0)),
            pl.BlockSpec((_DIN, _DOUT), lambda g: (0, 0)),
            pl.BlockSpec((2, _DOUT), lambda g: (0, 0)),
            pl.BlockSpec((1, _DE), lambda g: (0, 0)),
        ],
        out_specs=pl.BlockSpec((_PG, 1, _UVEA), lambda g: (g, 0, 0)),
        out_shape=jax.ShapeDtypeStruct((_G, 1, _UVEA), jnp.float32),
    )(xf, eaf, W, a12, a3)

    sc_attn = functools.partial(
        pl.kernel,
        out_type=jax.ShapeDtypeStruct((_G * _AFLAT,), jnp.float32),
        mesh=plsc.VectorSubcoreMesh(core_axis_name="c", subcore_axis_name="s"),
        compiler_params=pltpu.CompilerParams(needs_layout_passes=False),
        scratch_types=[
            pltpu.VMEM((_UVEA,), jnp.float32),
            pltpu.VMEM((_UVEA,), jnp.float32),
            pltpu.VMEM((2 * _E,), jnp.int32),
            pltpu.VMEM((2 * _E,), jnp.int32),
            pltpu.VMEM((_AFLAT,), jnp.float32),
            pltpu.SemaphoreType.DMA,
            pltpu.SemaphoreType.DMA,
            pltpu.SemaphoreType.DMA,
            pltpu.SemaphoreType.DMA,
        ],
    )(_sc_attn_body)
    a_flat = sc_attn(uvea3.reshape(_G * _UVEA), idx)

    hp = pl.pallas_call(
        _stage_a2_body,
        grid=(_G * _N // _RPG,),
        in_specs=[
            pl.BlockSpec((_RPG, _DIN), lambda g: (g, 0)),
            pl.BlockSpec((_DIN, _DOUT), lambda g: (0, 0)),
        ],
        out_specs=pl.BlockSpec((_RPG, _DOUT), lambda g: (g, 0)),
        out_shape=jax.ShapeDtypeStruct((_G * _N, _DOUT), jnp.float32),
    )(xf, W)

    out = pl.pallas_call(
        _stage_c_body,
        grid=(_G // _PGC,),
        in_specs=[
            pl.BlockSpec((_PGC, _NR, _NP), lambda g: (g, 0, 0)),
            pl.BlockSpec((_PGC, _N, _DOUT), lambda g: (g, 0, 0)),
        ],
        out_specs=pl.BlockSpec((_PGC, _N, _DOUT), lambda g: (g, 0, 0)),
        out_shape=jax.ShapeDtypeStruct((_G, _N, _DOUT), jnp.float32),
    )(a_flat.reshape(_G, _NR, _NP), hp.reshape(_G, _N, _DOUT))
    return out.reshape(_B, _S, _N, _DOUT)

# --- scband reference (transcript-rebuilt; emitter-appended) ---
"""Pipeline reference for scband-gatlayer-24034636989186 (READ-ONLY COPY).

The authoritative reference and input builder live on the scoring server;
editing this copy changes nothing except your own understanding.
"""

import jax, jax.numpy as jnp
import numpy as np

B, S, N, E = 2, 48, 49, 48
DIN, DOUT, DE = 128, 128, 16

def setup_inputs(seed: int = 0) -> dict:
    key = jax.random.key(seed)
    k1, k2, k3, k4, k5 = jax.random.split(key, 5)
    x = jax.random.normal(k1, (B, S, N, DIN), dtype=jnp.float32)
    edge_index = jax.random.randint(k2, (B, S, E, 2), 0, N).astype(jnp.int64)
    edge_attr = jax.random.normal(k3, (B, S, E, DE), dtype=jnp.float32)
    node_mask = jnp.ones((B, S, N), dtype=bool)
    edge_mask = jnp.ones((B, S, E), dtype=bool)
    limW = (6.0 / (DIN + DOUT)) ** 0.5
    W = jax.random.uniform(k4, (DIN, DOUT), jnp.float32, -limW, limW)
    lima = (6.0 / (2 * DOUT + DE + 1)) ** 0.5
    a = jax.random.uniform(k5, (2 * DOUT + DE, 1), jnp.float32, -lima, lima)
    return {"x": x, "edge_index": edge_index, "edge_attr": edge_attr,
            "node_mask": node_mask, "edge_mask": edge_mask, "W": W, "a": a}

def reference(x, edge_index, edge_attr, node_mask, edge_mask, W, a):
    B_, S_, N_, _ = x.shape
    E_ = edge_index.shape[2]
    h_prime = x @ W
    d = h_prime.shape[-1]
    src_idx = edge_index[..., 0]
    tgt_idx = edge_index[..., 1]

    def gather_nodes(idx):
        return jnp.take_along_axis(h_prime, jnp.broadcast_to(idx[..., None], (B_, S_, E_, d)), axis=2)

    src_valid = jnp.clip(src_idx, 0, None)
    tgt_valid = jnp.clip(tgt_idx, 0, None)
    src = jnp.where((src_idx >= 0)[..., None], gather_nodes(src_valid), 0.0)
    tgt = jnp.where((tgt_idx >= 0)[..., None], gather_nodes(tgt_valid), 0.0)
    cat = jnp.concatenate([src, tgt, edge_attr], axis=-1)
    e = jnp.squeeze(cat @ a, -1)
    e = jnp.where(e > 0, e, 0.2 * e)  # LeakyReLU(0.2)
    e = jnp.where(edge_mask, e, -jnp.inf)
    all_inf = ~jnp.isfinite(e).any(axis=-1)
    e = jnp.where(all_inf[..., None], 0.0, e)
    alpha = jax.nn.softmax(e, axis=-1)
    v_src = jnp.where(edge_mask, src_idx, 0)
    v_tgt = jnp.where(edge_mask, tgt_idx, 0)
    x_src = gather_nodes(v_src)
    x_tgt = gather_nodes(v_tgt)
    x_src_w = x_src * alpha[..., None]
    x_tgt_w = x_tgt * alpha[..., None]
    # torch: scatter-overwrite into [B,S,E,N,d] then sum over E; each edge writes a
    # distinct (e, n) slice, so summing over E == scatter-add over destination nodes.
    bi = jnp.broadcast_to(jnp.arange(B_)[:, None, None], (B_, S_, E_))
    si = jnp.broadcast_to(jnp.arange(S_)[None, :, None], (B_, S_, E_))
    agg = jnp.zeros((B_, S_, N_, d), dtype=x.dtype)
    agg = agg.at[bi, si, v_tgt].add(x_src_w)
    agg = agg.at[bi, si, v_src].add(x_tgt_w)
    h = jnp.where(agg > 0, agg, jnp.expm1(agg))  # ELU
    return h

if __name__ == "__main__":
    import jax
    _d = setup_inputs()
    print(jax.jit(kernel)(*tuple(_d.values())))

</pallas_src>

<mosaic_0001>
#map = affine_map<(d0, d1) -> (0)>
module attributes {stable_mosaic.version = 14 : i64} {
  func.func @_sc_attn_body(%arg0: i32, %arg1: i32, %arg2: memref<15360xf32, #tpu.memory_space<hbm>>, %arg3: memref<9216xi32, #tpu.memory_space<hbm>>, %arg4: memref<688128xf32, #tpu.memory_space<hbm>>, %arg5: memref<160xf32, #tpu.memory_space<vmem>>, %arg6: memref<160xf32, #tpu.memory_space<vmem>>, %arg7: memref<96xi32, #tpu.memory_space<vmem>>, %arg8: memref<96xi32, #tpu.memory_space<vmem>>, %arg9: memref<7168xf32, #tpu.memory_space<vmem>>, %arg10: memref<!tpu.dma_semaphore, #tpu.memory_space<semaphore_mem>>, %arg11: memref<!tpu.dma_semaphore, #tpu.memory_space<semaphore_mem>>, %arg12: memref<!tpu.dma_semaphore, #tpu.memory_space<semaphore_mem>>, %arg13: memref<!tpu.dma_semaphore, #tpu.memory_space<semaphore_mem>>) attributes {dimension_semantics = [#tpu.dimension_semantics<core_parallel>, #tpu.dimension_semantics<subcore_parallel>], iteration_bounds = array<i64: 2, 16>, scalar_prefetch = 0 : i64, scratch_operands = 9 : i64, tpu.core_type = #tpu.core_type<sc_vector_subcore>, window_params = [{transform_indices = #map}, {transform_indices = #map}, {transform_indices = #map}]} {
    %mul3A = arith.constant 2 : i32
    %mul3A_0 = arith.muli %arg1, %mul3A : i32
    %add3A = arith.addi %mul3A_0, %arg0 : i32
    %mul3A_1 = arith.constant 3 : i32
    %mul3A_2 = arith.muli %add3A, %mul3A_1 : i32
    %broadcast_in_dim3A = arith.constant 0.000000e+00 : f32
    %broadcast_in_dim3A_3 = vector.broadcast %broadcast_in_dim3A : f32 to vector<16xf32>
    %mul3A_4 = arith.constant 160 : i32
    %mul3A_5 = arith.muli %mul3A_2, %mul3A_4 : i32
    %dma_start3A = tpu.memref_slice %arg2[%mul3A_5] : memref<15360xf32, #tpu.memory_space<hbm>> -> memref<160xf32, #tpu.memory_space<hbm>>
    %dma_start3A_6 = tpu.memref_slice %arg2[%mul3A_5] : memref<15360xf32, #tpu.memory_space<hbm>> -> memref<160xf32, #tpu.memory_space<hbm>>
    tpu.enqueue_dma source(%dma_start3A_6 : memref<160xf32, #tpu.memory_space<hbm>>) target(%arg5 : memref<160xf32, #tpu.memory_space<vmem>>) target_semaphore(%arg10 : memref<!tpu.dma_semaphore, #tpu.memory_space<semaphore_mem>>)
    %mul3A_7 = arith.constant 2 : i32
    %mul3A_8 = arith.muli %mul3A_2, %mul3A_7 : i32
    %mul3A_9 = arith.constant 48 : i32
    %mul3A_10 = arith.muli %mul3A_8, %mul3A_9 : i32
    %dma_start3A_11 = tpu.memref_slice %arg3[%mul3A_10] : memref<9216xi32, #tpu.memory_space<hbm>> -> memref<96xi32, #tpu.memory_space<hbm>>
    %dma_start3A_12 = tpu.memref_slice %arg3[%mul3A_10] : memref<9216xi32, #tpu.memory_space<hbm>> -> memref<96xi32, #tpu.memory_space<hbm>>
    tpu.enqueue_dma source(%dma_start3A_12 : memref<96xi32, #tpu.memory_space<hbm>>) target(%arg7 : memref<96xi32, #tpu.memory_space<vmem>>) target_semaphore(%arg12 : memref<!tpu.dma_semaphore, #tpu.memory_space<semaphore_mem>>)
    %scan3A = arith.constant 0 : i32
    %scan3A_13 = arith.constant 0 : i32
    %scan3A_14 = arith.constant 112 : i32
    %scan3A_15 = arith.addi %scan3A_13, %scan3A_14 : i32
    %scan3A_16 = arith.constant 1 : i32
    scf.for %scan3A_382 = %scan3A_13 to %scan3A_15 step %scan3A_16  : i32 {
      %mul3A_383 = arith.constant 64 : i32
      %mul3A_384 = arith.muli %scan3A_382, %mul3A_383 : i32
      %swap3A = arith.index_cast %mul3A_384 : i32 to index
      %swap3A_385 = tpu.vector_load %arg9[%swap3A] {strides = array<i32>} : memref<7168xf32, #tpu.memory_space<vmem>>, vector<16xf32>,
      tpu.vector_store %arg9[%swap3A], %broadcast_in_dim3A_3 {strides = array<i32>} : memref<7168xf32, #tpu.memory_space<vmem>>, vector<16xf32>,
      %mul3A_386 = arith.constant 64 : i32
      %mul3A_387 = arith.muli %scan3A_382, %mul3A_386 : i32
      %add3A_388 = arith.constant 16 : i32
      %add3A_389 = arith.addi %mul3A_387, %add3A_388 : i32
      %swap3A_390 = arith.index_cast %add3A_389 : i32 to index
      %swap3A_391 = tpu.vector_load %arg9[%swap3A_390] {strides = array<i32>} : memref<7168xf32, #tpu.memory_space<vmem>>, vector<16xf32>,
      tpu.vector_store %arg9[%swap3A_390], %broadcast_in_dim3A_3 {strides = array<i32>} : memref<7168xf32, #tpu.memory_space<vmem>>, vector<16xf32>,
      %mul3A_392 = arith.constant 64 : i32
      %mul3A_393 = arith.muli %scan3A_382, %mul3A_392 : i32
      %add3A_394 = arith.constant 32 : i32
      %add3A_395 = arith.addi %mul3A_393, %add3A_394 : i32
      %swap3A_396 = arith.index_cast %add3A_395 : i32 to index
      %swap3A_397 = tpu.vector_load %arg9[%swap3A_396] {strides = array<i32>} : memref<7168xf32, #tpu.memory_space<vmem>>, vector<16xf32>,
      tpu.vector_store %arg9[%swap3A_396], %broadcast_in_dim3A_3 {strides = array<i32>} : memref<7168xf32, #tpu.memory_space<vmem>>, vector<16xf32>,
      %mul3A_398 = arith.constant 64 : i32
      %mul3A_399 = arith.muli %scan3A_382, %mul3A_398 : i32
      %add3A_400 = arith.constant 48 : i32
      %add3A_401 = arith.addi %mul3A_399, %add3A_400 : i32
      %swap3A_402 = arith.index_cast %add3A_401 : i32 to index
      %swap3A_403 = tpu.vector_load %arg9[%swap3A_402] {strides = array<i32>} : memref<7168xf32, #tpu.memory_space<vmem>>, vector<16xf32>,
      tpu.vector_store %arg9[%swap3A_402], %broadcast_in_dim3A_3 {strides = array<i32>} : memref<7168xf32, #tpu.memory_space<vmem>>, vector<16xf32>,
    }
    %scan3A_17 = arith.constant 112 : i32
    %add3A_18 = arith.constant 0 : i32
    %add3A_19 = arith.addi %mul3A_2, %add3A_18 : i32
    %add3A_20 = arith.constant 1 : i32
    %add3A_21 = arith.addi %add3A_19, %add3A_20 : i32
    %mul3A_22 = arith.constant 160 : i32
    %mul3A_23 = arith.muli %add3A_21, %mul3A_22 : i32
    %dma_start3A_24 = tpu.memref_slice %arg2[%mul3A_23] : memref<15360xf32, #tpu.memory_space<hbm>> -> memref<160xf32, #tpu.memory_space<hbm>>
    %dma_start3A_25 = tpu.memref_slice %arg2[%mul3A_23] : memref<15360xf32, #tpu.memory_space<hbm>> -> memref<160xf32, #tpu.memory_space<hbm>>
    tpu.enqueue_dma source(%dma_start3A_25 : memref<160xf32, #tpu.memory_space<hbm>>) target(%arg6 : memref<160xf32, #tpu.memory_space<vmem>>) target_semaphore(%arg11 : memref<!tpu.dma_semaphore, #tpu.memory_space<semaphore_mem>>)
    %mul3A_26 = arith.constant 2 : i32
    %mul3A_27 = arith.muli %add3A_21, %mul3A_26 : i32
    %mul3A_28 = arith.constant 48 : i32
    %mul3A_29 = arith.muli %mul3A_27, %mul3A_28 : i32
    %dma_start3A_30 = tpu.memref_slice %arg3[%mul3A_29] : memref<9216xi32, #tpu.memory_space<hbm>> -> memref<96xi32, #tpu.memory_space<hbm>>
    %dma_start3A_31 = tpu.memref_slice %arg3[%mul3A_29] : memref<9216xi32, #tpu.memory_space<hbm>> -> memref<96xi32, #tpu.memory_space<hbm>>
    tpu.enqueue_dma source(%dma_start3A_31 : memref<96xi32, #tpu.memory_space<hbm>>) target(%arg8 : memref<96xi32, #tpu.memory_space<vmem>>) target_semaphore(%arg13 : memref<!tpu.dma_semaphore, #tpu.memory_space<semaphore_mem>>)
    %dma_wait3A = tpu.memref_slice %arg2[%mul3A_5] : memref<15360xf32, #tpu.memory_space<hbm>> -> memref<160xf32, #tpu.memory_space<hbm>>
    %dma_wait3A_32 = tpu.memref_slice %arg2[%mul3A_5] : memref<15360xf32, #tpu.memory_space<hbm>> -> memref<160xf32, #tpu.memory_space<hbm>>
    tpu.wait_dma2 semaphore(%arg10 : memref<!tpu.dma_semaphore, #tpu.memory_space<semaphore_mem>>) src(%dma_wait3A_32 : memref<160xf32, #tpu.memory_space<hbm>>) dst(%arg5 : memref<160xf32, #tpu.memory_space<vmem>>)
    %dma_wait3A_33 = tpu.memref_slice %arg3[%mul3A_10] : memref<9216xi32, #tpu.memory_space<hbm>> -> memref<96xi32, #tpu.memory_space<hbm>>
    %dma_wait3A_34 = tpu.memref_slice %arg3[%mul3A_10] : memref<9216xi32, #tpu.memory_space<hbm>> -> memref<96xi32, #tpu.memory_space<hbm>>
    tpu.wait_dma2 semaphore(%arg12 : memref<!tpu.dma_semaphore, #tpu.memory_space<semaphore_mem>>) src(%dma_wait3A_34 : memref<96xi32, #tpu.memory_space<hbm>>) dst(%arg7 : memref<96xi32, #tpu.memory_space<vmem>>)
    %get3A = arith.constant 0 : index
    %get3A_35 = tpu.vector_load %arg7[%get3A] {strides = array<i32>} : memref<96xi32, #tpu.memory_space<vmem>>, vector<16xi32>,
    %get3A_36 = arith.constant 48 : index
    %get3A_37 = tpu.vector_load %arg7[%get3A_36] {strides = array<i32>} : memref<96xi32, #tpu.memory_space<vmem>>, vector<16xi32>,
    %gather3A = tpu.vector_load_idx %arg5[%get3A_35] : memref<160xf32, #tpu.memory_space<vmem>>[vector<16xi32>], vector<16xf32>,
    %add3A_38 = arith.constant 56 : i32
    %add3A_39 = vector.broadcast %add3A_38 : i32 to vector<16xi32>
    %add3A_40 = arith.addi %get3A_37, %add3A_39 : vector<16xi32>
    %gather3A_41 = tpu.vector_load_idx %arg5[%add3A_40] : memref<160xf32, #tpu.memory_space<vmem>>[vector<16xi32>], vector<16xf32>,
    %add3A_42 = arith.addf %gather3A, %gather3A_41 : vector<16xf32>
    %get3A_43 = arith.constant 112 : index
    %get3A_44 = tpu.vector_load %arg5[%get3A_43] {strides = array<i32>} : memref<160xf32, #tpu.memory_space<vmem>>, vector<16xf32>,
    %add3A_45 = arith.addf %add3A_42, %get3A_44 : vector<16xf32>
    %gt3A = arith.constant 0.000000e+00 : f32
    %gt3A_46 = vector.broadcast %gt3A : f32 to vector<16xf32>
    %gt3A_47 = arith.cmpf ogt, %add3A_45, %gt3A_46 : vector<16xf32>
    %mul3A_48 = arith.constant 2.000000e-01 : f32
    %mul3A_49 = vector.broadcast %mul3A_48 : f32 to vector<16xf32>
    %mul3A_50 = arith.mulf %mul3A_49, %add3A_45 : vector<16xf32>
    %select_n3A = arith.select %gt3A_47, %add3A_45, %mul3A_50 : vector<16xi1>, vector<16xf32>
    %get3A_51 = arith.constant 16 : index
    %get3A_52 = tpu.vector_load %arg7[%get3A_51] {strides = array<i32>} : memref<96xi32, #tpu.memory_space<vmem>>, vector<16xi32>,
    %get3A_53 = arith.constant 64 : index
    %get3A_54 = tpu.vector_load %arg7[%get3A_53] {strides = array<i32>} : memref<96xi32, #tpu.memory_space<vmem>>, vector<16xi32>,
    %gather3A_55 = tpu.vector_load_idx %arg5[%get3A_52] : memref<160xf32, #tpu.memory_space<vmem>>[vector<16xi32>], vector<16xf32>,
    %add3A_56 = arith.constant 56 : i32
    %add3A_57 = vector.broadcast %add3A_56 : i32 to vector<16xi32>
    %add3A_58 = arith.addi %get3A_54, %add3A_57 : vector<16xi32>
    %gather3A_59 = tpu.vector_load_idx %arg5[%add3A_58] : memref<160xf32, #tpu.memory_space<vmem>>[vector<16xi32>], vector<16xf32>,
    %add3A_60 = arith.addf %gather3A_55, %gather3A_59 : vector<16xf32>
    %get3A_61 = arith.constant 128 : index
    %get3A_62 = tpu.vector_load %arg5[%get3A_61] {strides = array<i32>} : memref<160xf32, #tpu.memory_space<vmem>>, vector<16xf32>,
    %add3A_63 = arith.addf %add3A_60, %get3A_62 : vector<16xf32>
    %gt3A_64 = arith.constant 0.000000e+00 : f32
    %gt3A_65 = vector.broadcast %gt3A_64 : f32 to vector<16xf32>
    %gt3A_66 = arith.cmpf ogt, %add3A_63, %gt3A_65 : vector<16xf32>
    %mul3A_67 = arith.constant 2.000000e-01 : f32
    %mul3A_68 = vector.broadcast %mul3A_67 : f32 to vector<16xf32>
    %mul3A_69 = arith.mulf %mul3A_68, %add3A_63 : vector<16xf32>
    %select_n3A_70 = arith.select %gt3A_66, %add3A_63, %mul3A_69 : vector<16xi1>, vector<16xf32>
    %get3A_71 = arith.constant 32 : index
    %get3A_72 = tpu.vector_load %arg7[%get3A_71] {strides = array<i32>} : memref<96xi32, #tpu.memory_space<vmem>>, vector<16xi32>,
    %get3A_73 = arith.constant 80 : index
    %get3A_74 = tpu.vector_load %arg7[%get3A_73] {strides = array<i32>} : memref<96xi32, #tpu.memory_space<vmem>>, vector<16xi32>,
    %gather3A_75 = tpu.vector_load_idx %arg5[%get3A_72] : memref<160xf32, #tpu.memory_space<vmem>>[vector<16xi32>], vector<16xf32>,
    %add3A_76 = arith.constant 56 : i32
    %add3A_77 = vector.broadcast %add3A_76 : i32 to vector<16xi32>
    %add3A_78 = arith.addi %get3A_74, %add3A_77 : vector<16xi32>
    %gather3A_79 = tpu.vector_load_idx %arg5[%add3A_78] : memref<160xf32, #tpu.memory_space<vmem>>[vector<16xi32>], vector<16xf32>,
    %add3A_80 = arith.addf %gather3A_75, %gather3A_79 : vector<16xf32>
    %get3A_81 = arith.constant 144 : index
    %get3A_82 = tpu.vector_load %arg5[%get3A_81] {strides = array<i32>} : memref<160xf32, #tpu.memory_space<vmem>>, vector<16xf32>,
    %add3A_83 = arith.addf %add3A_80, %get3A_82 : vector<16xf32>
    %gt3A_84 = arith.constant 0.000000e+00 : f32
    %gt3A_85 = vector.broadcast %gt3A_84 : f32 to vector<16xf32>
    %gt3A_86 = arith.cmpf ogt, %add3A_83, %gt3A_85 : vector<16xf32>
    %mul3A_87 = arith.constant 2.000000e-01 : f32
    %mul3A_88 = vector.broadcast %mul3A_87 : f32 to vector<16xf32>
    %mul3A_89 = arith.mulf %mul3A_88, %add3A_83 : vector<16xf32>
    %select_n3A_90 = arith.select %gt3A_86, %add3A_83, %mul3A_89 : vector<16xi1>, vector<16xf32>
    %max3A = arith.maximumf %select_n3A, %select_n3A_70 : vector<16xf32>
    %max3A_91 = arith.maximumf %max3A, %select_n3A_90 : vector<16xf32>
    %reduce_max3A = arith.constant true
    %reduce_max3A_92 = vector.broadcast %reduce_max3A : i1 to vector<16xi1>
    %reduce_max3A_93 = tpu.scan <max>, %max3A_91 masked %reduce_max3A_92 : vector<16xf32>, vector<16xi1> -> vector<16xf32>
    %reduce_max3A_94 = vector.extract %reduce_max3A_93[15] : f32 from vector<16xf32>
    %sub3A = vector.broadcast %reduce_max3A_94 : f32 to vector<16xf32>
    %sub3A_95 = arith.subf %select_n3A, %sub3A : vector<16xf32>
    %exp3A = math.exp %sub3A_95 : vector<16xf32>
    %sub3A_96 = vector.broadcast %reduce_max3A_94 : f32 to vector<16xf32>
    %sub3A_97 = arith.subf %select_n3A_70, %sub3A_96 : vector<16xf32>
    %exp3A_98 = math.exp %sub3A_97 : vector<16xf32>
    %sub3A_99 = vector.broadcast %reduce_max3A_94 : f32 to vector<16xf32>
    %sub3A_100 = arith.subf %select_n3A_90, %sub3A_99 : vector<16xf32>
    %exp3A_101 = math.exp %sub3A_100 : vector<16xf32>
    %add3A_102 = arith.addf %exp3A, %exp3A_98 : vector<16xf32>
    %add3A_103 = arith.addf %add3A_102, %exp3A_101 : vector<16xf32>
    %reduce_sum3A = arith.constant true
    %reduce_sum3A_104 = vector.broadcast %reduce_sum3A : i1 to vector<16xi1>
    %reduce_sum3A_105 = tpu.scan <sum>, %add3A_103 masked %reduce_sum3A_104 : vector<16xf32>, vector<16xi1> -> vector<16xf32>
    %reduce_sum3A_106 = vector.extract %reduce_sum3A_105[15] : f32 from vector<16xf32>
    %broadcast_in_dim3A_107 = vector.broadcast %reduce_sum3A_106 : f32 to vector<16xf32>
    %div3A = arith.divf %exp3A, %broadcast_in_dim3A_107 : vector<16xf32>
    %mul3A_108 = arith.constant 128 : i32
    %mul3A_109 = vector.broadcast %mul3A_108 : i32 to vector<16xi32>
    %mul3A_110 = arith.muli %get3A_37, %mul3A_109 : vector<16xi32>
    %add3A_111 = arith.addi %mul3A_110, %get3A_35 : vector<16xi32>
    %mul3A_112 = arith.constant 128 : i32
    %mul3A_113 = vector.broadcast %mul3A_112 : i32 to vector<16xi32>
    %mul3A_114 = arith.muli %get3A_35, %mul3A_113 : vector<16xi32>
    %add3A_115 = arith.addi %mul3A_114, %get3A_37 : vector<16xi32>
    tpu.vector_store_idx %arg9[%add3A_111], %div3A {add = true} : memref<7168xf32, #tpu.memory_space<vmem>>[vector<16xi32>], vector<16xf32>,
    tpu.vector_store_idx %arg9[%add3A_115], %div3A {add = true} : memref<7168xf32, #tpu.memory_space<vmem>>[vector<16xi32>], vector<16xf32>,
    %div3A_116 = arith.divf %exp3A_98, %broadcast_in_dim3A_107 : vector<16xf32>
    %mul3A_117 = arith.constant 128 : i32
    %mul3A_118 = vector.broadcast %mul3A_117 : i32 to vector<16xi32>
    %mul3A_119 = arith.muli %get3A_54, %mul3A_118 : vector<16xi32>
    %add3A_120 = arith.addi %mul3A_119, %get3A_52 : vector<16xi32>
    %mul3A_121 = arith.constant 128 : i32
    %mul3A_122 = vector.broadcast %mul3A_121 : i32 to vector<16xi32>
    %mul3A_123 = arith.muli %get3A_52, %mul3A_122 : vector<16xi32>
    %add3A_124 = arith.addi %mul3A_123, %get3A_54 : vector<16xi32>
    tpu.vector_store_idx %arg9[%add3A_120], %div3A_116 {add = true} : memref<7168xf32, #tpu.memory_space<vmem>>[vector<16xi32>], vector<16xf32>,
    tpu.vector_store_idx %arg9[%add3A_124], %div3A_116 {add = true} : memref<7168xf32, #tpu.memory_space<vmem>>[vector<16xi32>], vector<16xf32>,
    %div3A_125 = arith.divf %exp3A_101, %broadcast_in_dim3A_107 : vector<16xf32>
    %mul3A_126 = arith.constant 128 : i32
    %mul3A_127 = vector.broadcast %mul3A_126 : i32 to vector<16xi32>
    %mul3A_128 = arith.muli %get3A_74, %mul3A_127 : vector<16xi32>
    %add3A_129 = arith.addi %mul3A_128, %get3A_72 : vector<16xi32>
    %mul3A_130 = arith.constant 128 : i32
    %mul3A_131 = vector.broadcast %mul3A_130 : i32 to vector<16xi32>
    %mul3A_132 = arith.muli %get3A_72, %mul3A_131 : vector<16xi32>
    %add3A_133 = arith.addi %mul3A_132, %get3A_74 : vector<16xi32>
    tpu.vector_store_idx %arg9[%add3A_129], %div3A_125 {add = true} : memref<7168xf32, #tpu.memory_space<vmem>>[vector<16xi32>], vector<16xf32>,
    tpu.vector_store_idx %arg9[%add3A_133], %div3A_125 {add = true} : memref<7168xf32, #tpu.memory_space<vmem>>[vector<16xi32>], vector<16xf32>,
    %mul3A_134 = arith.constant 7168 : i32
    %mul3A_135 = arith.muli %add3A_19, %mul3A_134 : i32
    "tpu.region"() ({
      %run_scoped3A = tpu.sem_alloc : memref<!tpu.dma_semaphore, #tpu.memory_space<semaphore_mem>>
      %dma_start3A_382 = arith.constant 0 : i32
      %dma_start3A_383 = tpu.memref_slice %arg9[%dma_start3A_382] : memref<7168xf32, #tpu.memory_space<vmem>> -> memref<7168xf32, #tpu.memory_space<vmem>>
      %dma_start3A_384 = tpu.memref_slice %arg4[%mul3A_135] : memref<688128xf32, #tpu.memory_space<hbm>> -> memref<7168xf32, #tpu.memory_space<hbm>>
      %dma_start3A_385 = tpu.memref_slice %arg4[%mul3A_135] : memref<688128xf32, #tpu.memory_space<hbm>> -> memref<7168xf32, #tpu.memory_space<hbm>>
      %dma_start3A_386 = arith.constant 0 : i32
      %dma_start3A_387 = tpu.memref_slice %arg9[%dma_start3A_386] : memref<7168xf32, #tpu.memory_space<vmem>> -> memref<7168xf32, #tpu.memory_space<vmem>>
      tpu.enqueue_dma source(%dma_start3A_387 : memref<7168xf32, #tpu.memory_space<vmem>>) target(%dma_start3A_385 : memref<7168xf32, #tpu.memory_space<hbm>>) target_semaphore(%run_scoped3A : memref<!tpu.dma_semaphore, #tpu.memory_space<semaphore_mem>>)
      %dma_wait3A_388 = arith.constant 0 : i32
      %dma_wait3A_389 = tpu.memref_slice %arg9[%dma_wait3A_388] : memref<7168xf32, #tpu.memory_space<vmem>> -> memref<7168xf32, #tpu.memory_space<vmem>>
      %dma_wait3A_390 = tpu.memref_slice %arg4[%mul3A_135] : memref<688128xf32, #tpu.memory_space<hbm>> -> memref<7168xf32, #tpu.memory_space<hbm>>
      %dma_wait3A_391 = tpu.memref_slice %arg4[%mul3A_135] : memref<688128xf32, #tpu.memory_space<hbm>> -> memref<7168xf32, #tpu.memory_space<hbm>>
      %dma_wait3A_392 = arith.constant 0 : i32
      %dma_wait3A_393 = tpu.memref_slice %arg9[%dma_wait3A_392] : memref<7168xf32, #tpu.memory_space<vmem>> -> memref<7168xf32, #tpu.memory_space<vmem>>
      tpu.wait_dma2 semaphore(%run_scoped3A : memref<!tpu.dma_semaphore, #tpu.memory_space<semaphore_mem>>) src(%dma_wait3A_393 : memref<7168xf32, #tpu.memory_space<vmem>>) dst(%dma_wait3A_391 : memref<7168xf32, #tpu.memory_space<hbm>>)
      tpu.yield
    }) : () -> ()
    tpu.vector_store_idx %arg9[%add3A_111], %broadcast_in_dim3A_3 : memref<7168xf32, #tpu.memory_space<vmem>>[vector<16xi32>], vector<16xf32>,
    tpu.vector_store_idx %arg9[%add3A_115], %broadcast_in_dim3A_3 : memref<7168xf32, #tpu.memory_space<vmem>>[vector<16xi32>], vector<16xf32>,
    tpu.vector_store_idx %arg9[%add3A_120], %broadcast_in_dim3A_3 : memref<7168xf32, #tpu.memory_space<vmem>>[vector<16xi32>], vector<16xf32>,
    tpu.vector_store_idx %arg9[%add3A_124], %broadcast_in_dim3A_3 : memref<7168xf32, #tpu.memory_space<vmem>>[vector<16xi32>], vector<16xf32>,
    tpu.vector_store_idx %arg9[%add3A_129], %broadcast_in_dim3A_3 : memref<7168xf32, #tpu.memory_space<vmem>>[vector<16xi32>], vector<16xf32>,
    tpu.vector_store_idx %arg9[%add3A_133], %broadcast_in_dim3A_3 : memref<7168xf32, #tpu.memory_space<vmem>>[vector<16xi32>], vector<16xf32>,
    %add3A_136 = arith.constant 1 : i32
    %add3A_137 = arith.addi %mul3A_2, %add3A_136 : i32
    %add3A_138 = arith.constant 1 : i32
    %add3A_139 = arith.addi %add3A_137, %add3A_138 : i32
    %mul3A_140 = arith.constant 160 : i32
    %mul3A_141 = arith.muli %add3A_139, %mul3A_140 : i32
    %dma_start3A_142 = tpu.memref_slice %arg2[%mul3A_141] : memref<15360xf32, #tpu.memory_space<hbm>> -> memref<160xf32, #tpu.memory_space<hbm>>
    %dma_start3A_143 = tpu.memref_slice %arg2[%mul3A_141] : memref<15360xf32, #tpu.memory_space<hbm>> -> memref<160xf32, #tpu.memory_space<hbm>>
    tpu.enqueue_dma source(%dma_start3A_143 : memref<160xf32, #tpu.memory_space<hbm>>) target(%arg5 : memref<160xf32, #tpu.memory_space<vmem>>) target_semaphore(%arg10 : memref<!tpu.dma_semaphore, #tpu.memory_space<semaphore_mem>>)
    %mul3A_144 = arith.constant 2 : i32
    %mul3A_145 = arith.muli %add3A_139, %mul3A_144 : i32
    %mul3A_146 = arith.constant 48 : i32
    %mul3A_147 = arith.muli %mul3A_145, %mul3A_146 : i32
    %dma_start3A_148 = tpu.memref_slice %arg3[%mul3A_147] : memref<9216xi32, #tpu.memory_space<hbm>> -> memref<96xi32, #tpu.memory_space<hbm>>
    %dma_start3A_149 = tpu.memref_slice %arg3[%mul3A_147] : memref<9216xi32, #tpu.memory_space<hbm>> -> memref<96xi32, #tpu.memory_space<hbm>>
    tpu.enqueue_dma source(%dma_start3A_149 : memref<96xi32, #tpu.memory_space<hbm>>) target(%arg7 : memref<96xi32, #tpu.memory_space<vmem>>) target_semaphore(%arg12 : memref<!tpu.dma_semaphore, #tpu.memory_space<semaphore_mem>>)
    %dma_wait3A_150 = tpu.memref_slice %arg2[%mul3A_23] : memref<15360xf32, #tpu.memory_space<hbm>> -> memref<160xf32, #tpu.memory_space<hbm>>
    %dma_wait3A_151 = tpu.memref_slice %arg2[%mul3A_23] : memref<15360xf32, #tpu.memory_space<hbm>> -> memref<160xf32, #tpu.memory_space<hbm>>
    tpu.wait_dma2 semaphore(%arg11 : memref<!tpu.dma_semaphore, #tpu.memory_space<semaphore_mem>>) src(%dma_wait3A_151 : memref<160xf32, #tpu.memory_space<hbm>>) dst(%arg6 : memref<160xf32, #tpu.memory_space<vmem>>)
    %dma_wait3A_152 = tpu.memref_slice %arg3[%mul3A_29] : memref<9216xi32, #tpu.memory_space<hbm>> -> memref<96xi32, #tpu.memory_space<hbm>>
    %dma_wait3A_153 = tpu.memref_slice %arg3[%mul3A_29] : memref<9216xi32, #tpu.memory_space<hbm>> -> memref<96xi32, #tpu.memory_space<hbm>>
    tpu.wait_dma2 semaphore(%arg13 : memref<!tpu.dma_semaphore, #tpu.memory_space<semaphore_mem>>) src(%dma_wait3A_153 : memref<96xi32, #tpu.memory_space<hbm>>) dst(%arg8 : memref<96xi32, #tpu.memory_space<vmem>>)
    %get3A_154 = arith.constant 0 : index
    %get3A_155 = tpu.vector_load %arg8[%get3A_154] {strides = array<i32>} : memref<96xi32, #tpu.memory_space<vmem>>, vector<16xi32>,
    %get3A_156 = arith.constant 48 : index
    %get3A_157 = tpu.vector_load %arg8[%get3A_156] {strides = array<i32>} : memref<96xi32, #tpu.memory_space<vmem>>, vector<16xi32>,
    %gather3A_158 = tpu.vector_load_idx %arg6[%get3A_155] : memref<160xf32, #tpu.memory_space<vmem>>[vector<16xi32>], vector<16xf32>,
    %add3A_159 = arith.constant 56 : i32
    %add3A_160 = vector.broadcast %add3A_159 : i32 to vector<16xi32>
    %add3A_161 = arith.addi %get3A_157, %add3A_160 : vector<16xi32>
    %gather3A_162 = tpu.vector_load_idx %arg6[%add3A_161] : memref<160xf32, #tpu.memory_space<vmem>>[vector<16xi32>], vector<16xf32>,
    %add3A_163 = arith.addf %gather3A_158, %gather3A_162 : vector<16xf32>
    %get3A_164 = arith.constant 112 : index
    %get3A_165 = tpu.vector_load %arg6[%get3A_164] {strides = array<i32>} : memref<160xf32, #tpu.memory_space<vmem>>, vector<16xf32>,
    %add3A_166 = arith.addf %add3A_163, %get3A_165 : vector<16xf32>
    %gt3A_167 = arith.constant 0.000000e+00 : f32
    %gt3A_168 = vector.broadcast %gt3A_167 : f32 to vector<16xf32>
    %gt3A_169 = arith.cmpf ogt, %add3A_166, %gt3A_168 : vector<16xf32>
    %mul3A_170 = arith.constant 2.000000e-01 : f32
    %mul3A_171 = vector.broadcast %mul3A_170 : f32 to vector<16xf32>
    %mul3A_172 = arith.mulf %mul3A_171, %add3A_166 : vector<16xf32>
    %select_n3A_173 = arith.select %gt3A_169, %add3A_166, %mul3A_172 : vector<16xi1>, vector<16xf32>
    %get3A_174 = arith.constant 16 : index
    %get3A_175 = tpu.vector_load %arg8[%get3A_174] {strides = array<i32>} : memref<96xi32, #tpu.memory_space<vmem>>, vector<16xi32>,
    %get3A_176 = arith.constant 64 : index
    %get3A_177 = tpu.vector_load %arg8[%get3A_176] {strides = array<i32>} : memref<96xi32, #tpu.memory_space<vmem>>, vector<16xi32>,
    %gather3A_178 = tpu.vector_load_idx %arg6[%get3A_175] : memref<160xf32, #tpu.memory_space<vmem>>[vector<16xi32>], vector<16xf32>,
    %add3A_179 = arith.constant 56 : i32
    %add3A_180 = vector.broadcast %add3A_179 : i32 to vector<16xi32>
    %add3A_181 = arith.addi %get3A_177, %add3A_180 : vector<16xi32>
    %gather3A_182 = tpu.vector_load_idx %arg6[%add3A_181] : memref<160xf32, #tpu.memory_space<vmem>>[vector<16xi32>], vector<16xf32>,
    %add3A_183 = arith.addf %gather3A_178, %gather3A_182 : vector<16xf32>
    %get3A_184 = arith.constant 128 : index
    %get3A_185 = tpu.vector_load %arg6[%get3A_184] {strides = array<i32>} : memref<160xf32, #tpu.memory_space<vmem>>, vector<16xf32>,
    %add3A_186 = arith.addf %add3A_183, %get3A_185 : vector<16xf32>
    %gt3A_187 = arith.constant 0.000000e+00 : f32
    %gt3A_188 = vector.broadcast %gt3A_187 : f32 to vector<16xf32>
    %gt3A_189 = arith.cmpf ogt, %add3A_186, %gt3A_188 : vector<16xf32>
    %mul3A_190 = arith.constant 2.000000e-01 : f32
    %mul3A_191 = vector.broadcast %mul3A_190 : f32 to vector<16xf32>
    %mul3A_192 = arith.mulf %mul3A_191, %add3A_186 : vector<16xf32>
    %select_n3A_193 = arith.select %gt3A_189, %add3A_186, %mul3A_192 : vector<16xi1>, vector<16xf32>
    %get3A_194 = arith.constant 32 : index
    %get3A_195 = tpu.vector_load %arg8[%get3A_194] {strides = array<i32>} : memref<96xi32, #tpu.memory_space<vmem>>, vector<16xi32>,
    %get3A_196 = arith.constant 80 : index
    %get3A_197 = tpu.vector_load %arg8[%get3A_196] {strides = array<i32>} : memref<96xi32, #tpu.memory_space<vmem>>, vector<16xi32>,
    %gather3A_198 = tpu.vector_load_idx %arg6[%get3A_195] : memref<160xf32, #tpu.memory_space<vmem>>[vector<16xi32>], vector<16xf32>,
    %add3A_199 = arith.constant 56 : i32
    %add3A_200 = vector.broadcast %add3A_199 : i32 to vector<16xi32>
    %add3A_201 = arith.addi %get3A_197, %add3A_200 : vector<16xi32>
    %gather3A_202 = tpu.vector_load_idx %arg6[%add3A_201] : memref<160xf32, #tpu.memory_space<vmem>>[vector<16xi32>], vector<16xf32>,
    %add3A_203 = arith.addf %gather3A_198, %gather3A_202 : vector<16xf32>
    %get3A_204 = arith.constant 144 : index
    %get3A_205 = tpu.vector_load %arg6[%get3A_204] {strides = array<i32>} : memref<160xf32, #tpu.memory_space<vmem>>, vector<16xf32>,
    %add3A_206 = arith.addf %add3A_203, %get3A_205 : vector<16xf32>
    %gt3A_207 = arith.constant 0.000000e+00 : f32
    %gt3A_208 = vector.broadcast %gt3A_207 : f32 to vector<16xf32>
    %gt3A_209 = arith.cmpf ogt, %add3A_206, %gt3A_208 : vector<16xf32>
    %mul3A_210 = arith.constant 2.000000e-01 : f32
    %mul3A_211 = vector.broadcast %mul3A_210 : f32 to vector<16xf32>
    %mul3A_212 = arith.mulf %mul3A_211, %add3A_206 : vector<16xf32>
    %select_n3A_213 = arith.select %gt3A_209, %add3A_206, %mul3A_212 : vector<16xi1>, vector<16xf32>
    %max3A_214 = arith.maximumf %select_n3A_173, %select_n3A_193 : vector<16xf32>
    %max3A_215 = arith.maximumf %max3A_214, %select_n3A_213 : vector<16xf32>
    %reduce_max3A_216 = arith.constant true
    %reduce_max3A_217 = vector.broadcast %reduce_max3A_216 : i1 to vector<16xi1>
    %reduce_max3A_218 = tpu.scan <max>, %max3A_215 masked %reduce_max3A_217 : vector<16xf32>, vector<16xi1> -> vector<16xf32>
    %reduce_max3A_219 = vector.extract %reduce_max3A_218[15] : f32 from vector<16xf32>
    %sub3A_220 = vector.broadcast %reduce_max3A_219 : f32 to vector<16xf32>
    %sub3A_221 = arith.subf %select_n3A_173, %sub3A_220 : vector<16xf32>
    %exp3A_222 = math.exp %sub3A_221 : vector<16xf32>
    %sub3A_223 = vector.broadcast %reduce_max3A_219 : f32 to vector<16xf32>
    %sub3A_224 = arith.subf %select_n3A_193, %sub3A_223 : vector<16xf32>
    %exp3A_225 = math.exp %sub3A_224 : vector<16xf32>
    %sub3A_226 = vector.broadcast %reduce_max3A_219 : f32 to vector<16xf32>
    %sub3A_227 = arith.subf %select_n3A_213, %sub3A_226 : vector<16xf32>
    %exp3A_228 = math.exp %sub3A_227 : vector<16xf32>
    %add3A_229 = arith.addf %exp3A_222, %exp3A_225 : vector<16xf32>
    %add3A_230 = arith.addf %add3A_229, %exp3A_228 : vector<16xf32>
    %reduce_sum3A_231 = arith.constant true
    %reduce_sum3A_232 = vector.broadcast %reduce_sum3A_231 : i1 to vector<16xi1>
    %reduce_sum3A_233 = tpu.scan <sum>, %add3A_230 masked %reduce_sum3A_232 : vector<16xf32>, vector<16xi1> -> vector<16xf32>
    %reduce_sum3A_234 = vector.extract %reduce_sum3A_233[15] : f32 from vector<16xf32>
    %broadcast_in_dim3A_235 = vector.broadcast %reduce_sum3A_234 : f32 to vector<16xf32>
    %div3A_236 = arith.divf %exp3A_222, %broadcast_in_dim3A_235 : vector<16xf32>
    %mul3A_237 = arith.constant 128 : i32
    %mul3A_238 = vector.broadcast %mul3A_237 : i32 to vector<16xi32>
    %mul3A_239 = arith.muli %get3A_157, %mul3A_238 : vector<16xi32>
    %add3A_240 = arith.addi %mul3A_239, %get3A_155 : vector<16xi32>
    %mul3A_241 = arith.constant 128 : i32
    %mul3A_242 = vector.broadcast %mul3A_241 : i32 to vector<16xi32>
    %mul3A_243 = arith.muli %get3A_155, %mul3A_242 : vector<16xi32>
    %add3A_244 = arith.addi %mul3A_243, %get3A_157 : vector<16xi32>
    tpu.vector_store_idx %arg9[%add3A_240], %div3A_236 {add = true} : memref<7168xf32, #tpu.memory_space<vmem>>[vector<16xi32>], vector<16xf32>,
    tpu.vector_store_idx %arg9[%add3A_244], %div3A_236 {add = true} : memref<7168xf32, #tpu.memory_space<vmem>>[vector<16xi32>], vector<16xf32>,
    %div3A_245 = arith.divf %exp3A_225, %broadcast_in_dim3A_235 : vector<16xf32>
    %mul3A_246 = arith.constant 128 : i32
    %mul3A_247 = vector.broadcast %mul3A_246 : i32 to vector<16xi32>
    %mul3A_248 = arith.muli %get3A_177, %mul3A_247 : vector<16xi32>
    %add3A_249 = arith.addi %mul3A_248, %get3A_175 : vector<16xi32>
    %mul3A_250 = arith.constant 128 : i32
    %mul3A_251 = vector.broadcast %mul3A_250 : i32 to vector<16xi32>
    %mul3A_252 = arith.muli %get3A_175, %mul3A_251 : vector<16xi32>
    %add3A_253 = arith.addi %mul3A_252, %get3A_177 : vector<16xi32>
    tpu.vector_store_idx %arg9[%add3A_249], %div3A_245 {add = true} : memref<7168xf32, #tpu.memory_space<vmem>>[vector<16xi32>], vector<16xf32>,
    tpu.vector_store_idx %arg9[%add3A_253], %div3A_245 {add = true} : memref<7168xf32, #tpu.memory_space<vmem>>[vector<16xi32>], vector<16xf32>,
    %div3A_254 = arith.divf %exp3A_228, %broadcast_in_dim3A_235 : vector<16xf32>
    %mul3A_255 = arith.constant 128 : i32
    %mul3A_256 = vector.broadcast %mul3A_255 : i32 to vector<16xi32>
    %mul3A_257 = arith.muli %get3A_197, %mul3A_256 : vector<16xi32>
    %add3A_258 = arith.addi %mul3A_257, %get3A_195 : vector<16xi32>
    %mul3A_259 = arith.constant 128 : i32
    %mul3A_260 = vector.broadcast %mul3A_259 : i32 to vector<16xi32>
    %mul3A_261 = arith.muli %get3A_195, %mul3A_260 : vector<16xi32>
    %add3A_262 = arith.addi %mul3A_261, %get3A_197 : vector<16xi32>
    tpu.vector_store_idx %arg9[%add3A_258], %div3A_254 {add = true} : memref<7168xf32, #tpu.memory_space<vmem>>[vector<16xi32>], vector<16xf32>,
    tpu.vector_store_idx %arg9[%add3A_262], %div3A_254 {add = true} : memref<7168xf32, #tpu.memory_space<vmem>>[vector<16xi32>], vector<16xf32>,
    %mul3A_263 = arith.constant 7168 : i32
    %mul3A_264 = arith.muli %add3A_137, %mul3A_263 : i32
    "tpu.region"() ({
      %run_scoped3A = tpu.sem_alloc : memref<!tpu.dma_semaphore, #tpu.memory_space<semaphore_mem>>
      %dma_start3A_382 = arith.constant 0 : i32
      %dma_start3A_383 = tpu.memref_slice %arg9[%dma_start3A_382] : memref<7168xf32, #tpu.memory_space<vmem>> -> memref<7168xf32, #tpu.memory_space<vmem>>
      %dma_start3A_384 = tpu.memref_slice %arg4[%mul3A_264] : memref<688128xf32, #tpu.memory_space<hbm>> -> memref<7168xf32, #tpu.memory_space<hbm>>
      %dma_start3A_385 = tpu.memref_slice %arg4[%mul3A_264] : memref<688128xf32, #tpu.memory_space<hbm>> -> memref<7168xf32, #tpu.memory_space<hbm>>
      %dma_start3A_386 = arith.constant 0 : i32
      %dma_start3A_387 = tpu.memref_slice %arg9[%dma_start3A_386] : memref<7168xf32, #tpu.memory_space<vmem>> -> memref<7168xf32, #tpu.memory_space<vmem>>
      tpu.enqueue_dma source(%dma_start3A_387 : memref<7168xf32, #tpu.memory_space<vmem>>) target(%dma_start3A_385 : memref<7168xf32, #tpu.memory_space<hbm>>) target_semaphore(%run_scoped3A : memref<!tpu.dma_semaphore, #tpu.memory_space<semaphore_mem>>)
      %dma_wait3A_388 = arith.constant 0 : i32
      %dma_wait3A_389 = tpu.memref_slice %arg9[%dma_wait3A_388] : memref<7168xf32, #tpu.memory_space<vmem>> -> memref<7168xf32, #tpu.memory_space<vmem>>
      %dma_wait3A_390 = tpu.memref_slice %arg4[%mul3A_264] : memref<688128xf32, #tpu.memory_space<hbm>> -> memref<7168xf32, #tpu.memory_space<hbm>>
      %dma_wait3A_391 = tpu.memref_slice %arg4[%mul3A_264] : memref<688128xf32, #tpu.memory_space<hbm>> -> memref<7168xf32, #tpu.memory_space<hbm>>
      %dma_wait3A_392 = arith.constant 0 : i32
      %dma_wait3A_393 = tpu.memref_slice %arg9[%dma_wait3A_392] : memref<7168xf32, #tpu.memory_space<vmem>> -> memref<7168xf32, #tpu.memory_space<vmem>>
      tpu.wait_dma2 semaphore(%run_scoped3A : memref<!tpu.dma_semaphore, #tpu.memory_space<semaphore_mem>>) src(%dma_wait3A_393 : memref<7168xf32, #tpu.memory_space<vmem>>) dst(%dma_wait3A_391 : memref<7168xf32, #tpu.memory_space<hbm>>)
      tpu.yield
    }) : () -> ()
    tpu.vector_store_idx %arg9[%add3A_240], %broadcast_in_dim3A_3 : memref<7168xf32, #tpu.memory_space<vmem>>[vector<16xi32>], vector<16xf32>,
    tpu.vector_store_idx %arg9[%add3A_244], %broadcast_in_dim3A_3 : memref<7168xf32, #tpu.memory_space<vmem>>[vector<16xi32>], vector<16xf32>,
    tpu.vector_store_idx %arg9[%add3A_249], %broadcast_in_dim3A_3 : memref<7168xf32, #tpu.memory_space<vmem>>[vector<16xi32>], vector<16xf32>,
    tpu.vector_store_idx %arg9[%add3A_253], %broadcast_in_dim3A_3 : memref<7168xf32, #tpu.memory_space<vmem>>[vector<16xi32>], vector<16xf32>,
    tpu.vector_store_idx %arg9[%add3A_258], %broadcast_in_dim3A_3 : memref<7168xf32, #tpu.memory_space<vmem>>[vector<16xi32>], vector<16xf32>,
    tpu.vector_store_idx %arg9[%add3A_262], %broadcast_in_dim3A_3 : memref<7168xf32, #tpu.memory_space<vmem>>[vector<16xi32>], vector<16xf32>,
    %add3A_265 = arith.constant 2 : i32
    %add3A_266 = arith.addi %mul3A_2, %add3A_265 : i32
    %dma_wait3A_267 = tpu.memref_slice %arg2[%mul3A_141] : memref<15360xf32, #tpu.memory_space<hbm>> -> memref<160xf32, #tpu.memory_space<hbm>>
    %dma_wait3A_268 = tpu.memref_slice %arg2[%mul3A_141] : memref<15360xf32, #tpu.memory_space<hbm>> -> memref<160xf32, #tpu.memory_space<hbm>>
    tpu.wait_dma2 semaphore(%arg10 : memref<!tpu.dma_semaphore, #tpu.memory_space<semaphore_mem>>) src(%dma_wait3A_268 : memref<160xf32, #tpu.memory_space<hbm>>) dst(%arg5 : memref<160xf32, #tpu.memory_space<vmem>>)
    %dma_wait3A_269 = tpu.memref_slice %arg3[%mul3A_147] : memref<9216xi32, #tpu.memory_space<hbm>> -> memref<96xi32, #tpu.memory_space<hbm>>
    %dma_wait3A_270 = tpu.memref_slice %arg3[%mul3A_147] : memref<9216xi32, #tpu.memory_space<hbm>> -> memref<96xi32, #tpu.memory_space<hbm>>
    tpu.wait_dma2 semaphore(%arg12 : memref<!tpu.dma_semaphore, #tpu.memory_space<semaphore_mem>>) src(%dma_wait3A_270 : memref<96xi32, #tpu.memory_space<hbm>>) dst(%arg7 : memref<96xi32, #tpu.memory_space<vmem>>)
    %get3A_271 = arith.constant 0 : index
    %get3A_272 = tpu.vector_load %arg7[%get3A_271] {strides = array<i32>} : memref<96xi32, #tpu.memory_space<vmem>>, vector<16xi32>,
    %get3A_273 = arith.constant 48 : index
    %get3A_274 = tpu.vector_load %arg7[%get3A_273] {strides = array<i32>} : memref<96xi32, #tpu.memory_space<vmem>>, vector<16xi32>,
    %gather3A_275 = tpu.vector_load_idx %arg5[%get3A_272] : memref<160xf32, #tpu.memory_space<vmem>>[vector<16xi32>], vector<16xf32>,
    %add3A_276 = arith.constant 56 : i32
    %add3A_277 = vector.broadcast %add3A_276 : i32 to vector<16xi32>
    %add3A_278 = arith.addi %get3A_274, %add3A_277 : vector<16xi32>
    %gather3A_279 = tpu.vector_load_idx %arg5[%add3A_278] : memref<160xf32, #tpu.memory_space<vmem>>[vector<16xi32>], vector<16xf32>,
    %add3A_280 = arith.addf %gather3A_275, %gather3A_279 : vector<16xf32>
    %get3A_281 = arith.constant 112 : index
    %get3A_282 = tpu.vector_load %arg5[%get3A_281] {strides = array<i32>} : memref<160xf32, #tpu.memory_space<vmem>>, vector<16xf32>,
    %add3A_283 = arith.addf %add3A_280, %get3A_282 : vector<16xf32>
    %gt3A_284 = arith.constant 0.000000e+00 : f32
    %gt3A_285 = vector.broadcast %gt3A_284 : f32 to vector<16xf32>
    %gt3A_286 = arith.cmpf ogt, %add3A_283, %gt3A_285 : vector<16xf32>
    %mul3A_287 = arith.constant 2.000000e-01 : f32
    %mul3A_288 = vector.broadcast %mul3A_287 : f32 to vector<16xf32>
    %mul3A_289 = arith.mulf %mul3A_288, %add3A_283 : vector<16xf32>
    %select_n3A_290 = arith.select %gt3A_286, %add3A_283, %mul3A_289 : vector<16xi1>, vector<16xf32>
    %get3A_291 = arith.constant 16 : index
    %get3A_292 = tpu.vector_load %arg7[%get3A_291] {strides = array<i32>} : memref<96xi32, #tpu.memory_space<vmem>>, vector<16xi32>,
    %get3A_293 = arith.constant 64 : index
    %get3A_294 = tpu.vector_load %arg7[%get3A_293] {strides = array<i32>} : memref<96xi32, #tpu.memory_space<vmem>>, vector<16xi32>,
    %gather3A_295 = tpu.vector_load_idx %arg5[%get3A_292] : memref<160xf32, #tpu.memory_space<vmem>>[vector<16xi32>], vector<16xf32>,
    %add3A_296 = arith.constant 56 : i32
    %add3A_297 = vector.broadcast %add3A_296 : i32 to vector<16xi32>
    %add3A_298 = arith.addi %get3A_294, %add3A_297 : vector<16xi32>
    %gather3A_299 = tpu.vector_load_idx %arg5[%add3A_298] : memref<160xf32, #tpu.memory_space<vmem>>[vector<16xi32>], vector<16xf32>,
    %add3A_300 = arith.addf %gather3A_295, %gather3A_299 : vector<16xf32>
    %get3A_301 = arith.constant 128 : index
    %get3A_302 = tpu.vector_load %arg5[%get3A_301] {strides = array<i32>} : memref<160xf32, #tpu.memory_space<vmem>>, vector<16xf32>,
    %add3A_303 = arith.addf %add3A_300, %get3A_302 : vector<16xf32>
    %gt3A_304 = arith.constant 0.000000e+00 : f32
    %gt3A_305 = vector.broadcast %gt3A_304 : f32 to vector<16xf32>
    %gt3A_306 = arith.cmpf ogt, %add3A_303, %gt3A_305 : vector<16xf32>
    %mul3A_307 = arith.constant 2.000000e-01 : f32
    %mul3A_308 = vector.broadcast %mul3A_307 : f32 to vector<16xf32>
    %mul3A_309 = arith.mulf %mul3A_308, %add3A_303 : vector<16xf32>
    %select_n3A_310 = arith.select %gt3A_306, %add3A_303, %mul3A_309 : vector<16xi1>, vector<16xf32>
    %get3A_311 = arith.constant 32 : index
    %get3A_312 = tpu.vector_load %arg7[%get3A_311] {strides = array<i32>} : memref<96xi32, #tpu.memory_space<vmem>>, vector<16xi32>,
    %get3A_313 = arith.constant 80 : index
    %get3A_314 = tpu.vector_load %arg7[%get3A_313] {strides = array<i32>} : memref<96xi32, #tpu.memory_space<vmem>>, vector<16xi32>,
    %gather3A_315 = tpu.vector_load_idx %arg5[%get3A_312] : memref<160xf32, #tpu.memory_space<vmem>>[vector<16xi32>], vector<16xf32>,
    %add3A_316 = arith.constant 56 : i32
    %add3A_317 = vector.broadcast %add3A_316 : i32 to vector<16xi32>
    %add3A_318 = arith.addi %get3A_314, %add3A_317 : vector<16xi32>
    %gather3A_319 = tpu.vector_load_idx %arg5[%add3A_318] : memref<160xf32, #tpu.memory_space<vmem>>[vector<16xi32>], vector<16xf32>,
    %add3A_320 = arith.addf %gather3A_315, %gather3A_319 : vector<16xf32>
    %get3A_321 = arith.constant 144 : index
    %get3A_322 = tpu.vector_load %arg5[%get3A_321] {strides = array<i32>} : memref<160xf32, #tpu.memory_space<vmem>>, vector<16xf32>,
    %add3A_323 = arith.addf %add3A_320, %get3A_322 : vector<16xf32>
    %gt3A_324 = arith.constant 0.000000e+00 : f32
    %gt3A_325 = vector.broadcast %gt3A_324 : f32 to vector<16xf32>
    %gt3A_326 = arith.cmpf ogt, %add3A_323, %gt3A_325 : vector<16xf32>
    %mul3A_327 = arith.constant 2.000000e-01 : f32
    %mul3A_328 = vector.broadcast %mul3A_327 : f32 to vector<16xf32>
    %mul3A_329 = arith.mulf %mul3A_328, %add3A_323 : vector<16xf32>
    %select_n3A_330 = arith.select %gt3A_326, %add3A_323, %mul3A_329 : vector<16xi1>, vector<16xf32>
    %max3A_331 = arith.maximumf %select_n3A_290, %select_n3A_310 : vector<16xf32>
    %max3A_332 = arith.maximumf %max3A_331, %select_n3A_330 : vector<16xf32>
    %reduce_max3A_333 = arith.constant true
    %reduce_max3A_334 = vector.broadcast %reduce_max3A_333 : i1 to vector<16xi1>
    %reduce_max3A_335 = tpu.scan <max>, %max3A_332 masked %reduce_max3A_334 : vector<16xf32>, vector<16xi1> -> vector<16xf32>
    %reduce_max3A_336 = vector.extract %reduce_max3A_335[15] : f32 from vector<16xf32>
    %sub3A_337 = vector.broadcast %reduce_max3A_336 : f32 to vector<16xf32>
    %sub3A_338 = arith.subf %select_n3A_290, %sub3A_337 : vector<16xf32>
    %exp3A_339 = math.exp %sub3A_338 : vector<16xf32>
    %sub3A_340 = vector.broadcast %reduce_max3A_336 : f32 to vector<16xf32>
    %sub3A_341 = arith.subf %select_n3A_310, %sub3A_340 : vector<16xf32>
    %exp3A_342 = math.exp %sub3A_341 : vector<16xf32>
    %sub3A_343 = vector.broadcast %reduce_max3A_336 : f32 to vector<16xf32>
    %sub3A_344 = arith.subf %select_n3A_330, %sub3A_343 : vector<16xf32>
    %exp3A_345 = math.exp %sub3A_344 : vector<16xf32>
    %add3A_346 = arith.addf %exp3A_339, %exp3A_342 : vector<16xf32>
    %add3A_347 = arith.addf %add3A_346, %exp3A_345 : vector<16xf32>
    %reduce_sum3A_348 = arith.constant true
    %reduce_sum3A_349 = vector.broadcast %reduce_sum3A_348 : i1 to vector<16xi1>
    %reduce_sum3A_350 = tpu.scan <sum>, %add3A_347 masked %reduce_sum3A_349 : vector<16xf32>, vector<16xi1> -> vector<16xf32>
    %reduce_sum3A_351 = vector.extract %reduce_sum3A_350[15] : f32 from vector<16xf32>
    %broadcast_in_dim3A_352 = vector.broadcast %reduce_sum3A_351 : f32 to vector<16xf32>
    %div3A_353 = arith.divf %exp3A_339, %broadcast_in_dim3A_352 : vector<16xf32>
    %mul3A_354 = arith.constant 128 : i32
    %mul3A_355 = vector.broadcast %mul3A_354 : i32 to vector<16xi32>
    %mul3A_356 = arith.muli %get3A_274, %mul3A_355 : vector<16xi32>
    %add3A_357 = arith.addi %mul3A_356, %get3A_272 : vector<16xi32>
    %mul3A_358 = arith.constant 128 : i32
    %mul3A_359 = vector.broadcast %mul3A_358 : i32 to vector<16xi32>
    %mul3A_360 = arith.muli %get3A_272, %mul3A_359 : vector<16xi32>
    %add3A_361 = arith.addi %mul3A_360, %get3A_274 : vector<16xi32>
    tpu.vector_store_idx %arg9[%add3A_357], %div3A_353 {add = true} : memref<7168xf32, #tpu.memory_space<vmem>>[vector<16xi32>], vector<16xf32>,
    tpu.vector_store_idx %arg9[%add3A_361], %div3A_353 {add = true} : memref<7168xf32, #tpu.memory_space<vmem>>[vector<16xi32>], vector<16xf32>,
    %div3A_362 = arith.divf %exp3A_342, %broadcast_in_dim3A_352 : vector<16xf32>
    %mul3A_363 = arith.constant 128 : i32
    %mul3A_364 = vector.broadcast %mul3A_363 : i32 to vector<16xi32>
    %mul3A_365 = arith.muli %get3A_294, %mul3A_364 : vector<16xi32>
    %add3A_366 = arith.addi %mul3A_365, %get3A_292 : vector<16xi32>
    %mul3A_367 = arith.constant 128 : i32
    %mul3A_368 = vector.broadcast %mul3A_367 : i32 to vector<16xi32>
    %mul3A_369 = arith.muli %get3A_292, %mul3A_368 : vector<16xi32>
    %add3A_370 = arith.addi %mul3A_369, %get3A_294 : vector<16xi32>
    tpu.vector_store_idx %arg9[%add3A_366], %div3A_362 {add = true} : memref<7168xf32, #tpu.memory_space<vmem>>[vector<16xi32>], vector<16xf32>,
    tpu.vector_store_idx %arg9[%add3A_370], %div3A_362 {add = true} : memref<7168xf32, #tpu.memory_space<vmem>>[vector<16xi32>], vector<16xf32>,
    %div3A_371 = arith.divf %exp3A_345, %broadcast_in_dim3A_352 : vector<16xf32>
    %mul3A_372 = arith.constant 128 : i32
    %mul3A_373 = vector.broadcast %mul3A_372 : i32 to vector<16xi32>
    %mul3A_374 = arith.muli %get3A_314, %mul3A_373 : vector<16xi32>
    %add3A_375 = arith.addi %mul3A_374, %get3A_312 : vector<16xi32>
    %mul3A_376 = arith.constant 128 : i32
    %mul3A_377 = vector.broadcast %mul3A_376 : i32 to vector<16xi32>
    %mul3A_378 = arith.muli %get3A_312, %mul3A_377 : vector<16xi32>
    %add3A_379 = arith.addi %mul3A_378, %get3A_314 : vector<16xi32>
    tpu.vector_store_idx %arg9[%add3A_375], %div3A_371 {add = true} : memref<7168xf32, #tpu.memory_space<vmem>>[vector<16xi32>], vector<16xf32>,
    tpu.vector_store_idx %arg9[%add3A_379], %div3A_371 {add = true} : memref<7168xf32, #tpu.memory_space<vmem>>[vector<16xi32>], vector<16xf32>,
    %mul3A_380 = arith.constant 7168 : i32
    %mul3A_381 = arith.muli %add3A_266, %mul3A_380 : i32
    "tpu.region"() ({
      %run_scoped3A = tpu.sem_alloc : memref<!tpu.dma_semaphore, #tpu.memory_space<semaphore_mem>>
      %dma_start3A_382 = arith.constant 0 : i32
      %dma_start3A_383 = tpu.memref_slice %arg9[%dma_start3A_382] : memref<7168xf32, #tpu.memory_space<vmem>> -> memref<7168xf32, #tpu.memory_space<vmem>>
      %dma_start3A_384 = tpu.memref_slice %arg4[%mul3A_381] : memref<688128xf32, #tpu.memory_space<hbm>> -> memref<7168xf32, #tpu.memory_space<hbm>>
      %dma_start3A_385 = tpu.memref_slice %arg4[%mul3A_381] : memref<688128xf32, #tpu.memory_space<hbm>> -> memref<7168xf32, #tpu.memory_space<hbm>>
      %dma_start3A_386 = arith.constant 0 : i32
      %dma_start3A_387 = tpu.memref_slice %arg9[%dma_start3A_386] : memref<7168xf32, #tpu.memory_space<vmem>> -> memref<7168xf32, #tpu.memory_space<vmem>>
      tpu.enqueue_dma source(%dma_start3A_387 : memref<7168xf32, #tpu.memory_space<vmem>>) target(%dma_start3A_385 : memref<7168xf32, #tpu.memory_space<hbm>>) target_semaphore(%run_scoped3A : memref<!tpu.dma_semaphore, #tpu.memory_space<semaphore_mem>>)
      %dma_wait3A_388 = arith.constant 0 : i32
      %dma_wait3A_389 = tpu.memref_slice %arg9[%dma_wait3A_388] : memref<7168xf32, #tpu.memory_space<vmem>> -> memref<7168xf32, #tpu.memory_space<vmem>>
      %dma_wait3A_390 = tpu.memref_slice %arg4[%mul3A_381] : memref<688128xf32, #tpu.memory_space<hbm>> -> memref<7168xf32, #tpu.memory_space<hbm>>
      %dma_wait3A_391 = tpu.memref_slice %arg4[%mul3A_381] : memref<688128xf32, #tpu.memory_space<hbm>> -> memref<7168xf32, #tpu.memory_space<hbm>>
      %dma_wait3A_392 = arith.constant 0 : i32
      %dma_wait3A_393 = tpu.memref_slice %arg9[%dma_wait3A_392] : memref<7168xf32, #tpu.memory_space<vmem>> -> memref<7168xf32, #tpu.memory_space<vmem>>
      tpu.wait_dma2 semaphore(%run_scoped3A : memref<!tpu.dma_semaphore, #tpu.memory_space<semaphore_mem>>) src(%dma_wait3A_393 : memref<7168xf32, #tpu.memory_space<vmem>>) dst(%dma_wait3A_391 : memref<7168xf32, #tpu.memory_space<hbm>>)
      tpu.yield
    }) : () -> ()
    tpu.vector_store_idx %arg9[%add3A_357], %broadcast_in_dim3A_3 : memref<7168xf32, #tpu.memory_space<vmem>>[vector<16xi32>], vector<16xf32>,
    tpu.vector_store_idx %arg9[%add3A_361], %broadcast_in_dim3A_3 : memref<7168xf32, #tpu.memory_space<vmem>>[vector<16xi32>], vector<16xf32>,
    tpu.vector_store_idx %arg9[%add3A_366], %broadcast_in_dim3A_3 : memref<7168xf32, #tpu.memory_space<vmem>>[vector<16xi32>], vector<16xf32>,
    tpu.vector_store_idx %arg9[%add3A_370], %broadcast_in_dim3A_3 : memref<7168xf32, #tpu.memory_space<vmem>>[vector<16xi32>], vector<16xf32>,
    tpu.vector_store_idx %arg9[%add3A_375], %broadcast_in_dim3A_3 : memref<7168xf32, #tpu.memory_space<vmem>>[vector<16xi32>], vector<16xf32>,
    tpu.vector_store_idx %arg9[%add3A_379], %broadcast_in_dim3A_3 : memref<7168xf32, #tpu.memory_space<vmem>>[vector<16xi32>], vector<16xf32>,
    return
  }
}

module attributes {stable_mosaic.version = 14 : i64} {
  func.func @_stage_a1_body(%arg0: i32, %arg1: memref<1568x128xf32, #tpu.memory_space<vmem>>, %arg2: memref<1536x16xf32, #tpu.memory_space<vmem>>, %arg3: memref<128x128xf32, #tpu.memory_space<vmem>>, %arg4: memref<2x128xf32, #tpu.memory_space<vmem>>, %arg5: memref<1x16xf32, #tpu.memory_space<vmem>>, %arg6: memref<32x1x160xf32, #tpu.memory_space<vmem>>) attributes {dimension_semantics = [#tpu.dimension_semantics<arbitrary>], iteration_bounds = array<i64: 3>, scalar_prefetch = 0 : i64, scratch_operands = 0 : i64, tpu.core_type = #tpu.core_type<tc>, window_params = [{transform_indices = @transform_0, window_bounds = array<i64: 1568, 128>}, {transform_indices = @transform_1, window_bounds = array<i64: 1536, 16>}, {pipeline_mode = #tpu.pipeline_mode<synchronous>, transform_indices = @transform_2, window_bounds = array<i64: 128, 128>}, {pipeline_mode = #tpu.pipeline_mode<synchronous>, transform_indices = @transform_3, window_bounds = array<i64: 2, 128>}, {pipeline_mode = #tpu.pipeline_mode<synchronous>, transform_indices = @transform_4, window_bounds = array<i64: 1, 16>}, {transform_indices = @transform_5, window_bounds = array<i64: 32, 1, 160>}]} {
    %get3A = arith.constant 0 : index
    %get3A_0 = arith.constant 0 : index
    %get3A_1 = vector.load %arg4[%get3A, %get3A_0] : memref<2x128xf32, #tpu.memory_space<vmem>>, vector<2x128xf32>
    %get3A_2 = arith.constant 0 : index
    %get3A_3 = arith.constant 0 : index
    %get3A_4 = vector.load %arg3[%get3A_2, %get3A_3] : memref<128x128xf32, #tpu.memory_space<vmem>>, vector<128x128xf32>
    %dot_general3A = arith.constant dense<0.000000e+00> : vector<2x128xf32>
    %dot_general3A_5 = tpu.matmul %get3A_1, %get3A_4, %dot_general3A {dimension_numbers = #tpu.dot_dimension_numbers<[1], [1], [0], [0], [0, 0, 1, 0], [], []>, transpose_lhs_hint = false} : vector<2x128xf32>, vector<128x128xf32>, vector<2x128xf32> -> vector<2x128xf32>
    %get3A_6 = arith.constant 0 : index
    %get3A_7 = arith.constant 0 : index
    %get3A_8 = vector.load %arg1[%get3A_6, %get3A_7] : memref<1568x128xf32, #tpu.memory_space<vmem>>, vector<1568x128xf32>
    %dot_general3A_9 = arith.constant dense<0.000000e+00> : vector<2x1568xf32>
    %dot_general3A_10 = tpu.matmul %dot_general3A_5, %get3A_8, %dot_general3A_9 {dimension_numbers = #tpu.dot_dimension_numbers<[1], [1], [0], [0], [0, 0, 1, 0], [], []>, transpose_lhs_hint = false} : vector<2x128xf32>, vector<1568x128xf32>, vector<2x1568xf32> -> vector<2x1568xf32>
    %get3A_11 = arith.constant 0 : index
    %get3A_12 = arith.constant 0 : index
    %get3A_13 = vector.load %arg5[%get3A_11, %get3A_12] : memref<1x16xf32, #tpu.memory_space<vmem>>, vector<1x16xf32>
    %get3A_14 = arith.constant 0 : index
    %get3A_15 = arith.constant 0 : index
    %get3A_16 = vector.load %arg2[%get3A_14, %get3A_15] : memref<1536x16xf32, #tpu.memory_space<vmem>>, vector<1536x16xf32>
    %dot_general3A_17 = arith.constant dense<0.000000e+00> : vector<1x1536xf32>
    %dot_general3A_18 = tpu.matmul %get3A_13, %get3A_16, %dot_general3A_17 {dimension_numbers = #tpu.dot_dimension_numbers<[1], [1], [0], [0], [0, 0, 1, 0], [], []>, transpose_lhs_hint = false} : vector<1x16xf32>, vector<1536x16xf32>, vector<1x1536xf32> -> vector<1x1536xf32>
    %slice3A = vector.extract_strided_slice %dot_general3A_10 {offsets = [0, 0], sizes = [1, 49], strides = [1, 1]} : vector<2x1568xf32> to vector<1x49xf32>
    %swap3A = arith.constant 0 : index
    %swap3A_19 = arith.constant 0 : index
    %swap3A_20 = arith.constant 0 : index
    %swap3A_21 = vector.load %arg6[%swap3A, %swap3A_19, %swap3A_20] : memref<32x1x160xf32, #tpu.memory_space<vmem>>, vector<1x1x49xf32>
    %swap3A_22 = vector.shape_cast %swap3A_21 : vector<1x1x49xf32> to vector<1x49xf32>
    %swap3A_23 = vector.shape_cast %slice3A : vector<1x49xf32> to vector<1x1x49xf32>
    tpu.vector_store %arg6[%swap3A, %swap3A_19, %swap3A_20], %swap3A_23 {strides = array<i32>} : memref<32x1x160xf32, #tpu.memory_space<vmem>>, vector<1x1x49xf32>,
    %slice3A_24 = vector.extract_strided_slice %dot_general3A_10 {offsets = [1, 0], sizes = [1, 49], strides = [1, 1]} : vector<2x1568xf32> to vector<1x49xf32>
    %swap3A_25 = arith.constant 0 : index
    %swap3A_26 = arith.constant 0 : index
    %swap3A_27 = arith.constant 56 : index
    %swap3A_28 = vector.load %arg6[%swap3A_25, %swap3A_26, %swap3A_27] : memref<32x1x160xf32, #tpu.memory_space<vmem>>, vector<1x1x49xf32>
    %swap3A_29 = vector.shape_cast %swap3A_28 : vector<1x1x49xf32> to vector<1x49xf32>
    %swap3A_30 = vector.shape_cast %slice3A_24 : vector<1x49xf32> to vector<1x1x49xf32>
    tpu.vector_store %arg6[%swap3A_25, %swap3A_26, %swap3A_27], %swap3A_30 {strides = array<i32>} : memref<32x1x160xf32, #tpu.memory_space<vmem>>, vector<1x1x49xf32>,
    %slice3A_31 = vector.extract_strided_slice %dot_general3A_18 {offsets = [0, 0], sizes = [1, 48], strides = [1, 1]} : vector<1x1536xf32> to vector<1x48xf32>
    %swap3A_32 = arith.constant 0 : index
    %swap3A_33 = arith.constant 0 : index
    %swap3A_34 = arith.constant 112 : index
    %swap3A_35 = vector.load %arg6[%swap3A_32, %swap3A_33, %swap3A_34] : memref<32x1x160xf32, #tpu.memory_space<vmem>>, vector<1x1x48xf32>
    %swap3A_36 = vector.shape_cast %swap3A_35 : vector<1x1x48xf32> to vector<1x48xf32>
    %swap3A_37 = vector.shape_cast %slice3A_31 : vector<1x48xf32> to vector<1x1x48xf32>
    tpu.vector_store %arg6[%swap3A_32, %swap3A_33, %swap3A_34], %swap3A_37 {strides = array<i32>} : memref<32x1x160xf32, #tpu.memory_space<vmem>>, vector<1x1x48xf32>,
    %slice3A_38 = vector.extract_strided_slice %dot_general3A_10 {offsets = [0, 49], sizes = [1, 49], strides = [1, 1]} : vector<2x1568xf32> to vector<1x49xf32>
    %swap3A_39 = arith.constant 1 : index
    %swap3A_40 = arith.constant 0 : index
    %swap3A_41 = arith.constant 0 : index
    %swap3A_42 = vector.load %arg6[%swap3A_39, %swap3A_40, %swap3A_41] : memref<32x1x160xf32, #tpu.memory_space<vmem>>, vector<1x1x49xf32>
    %swap3A_43 = vector.shape_cast %swap3A_42 : vector<1x1x49xf32> to vector<1x49xf32>
    %swap3A_44 = vector.shape_cast %slice3A_38 : vector<1x49xf32> to vector<1x1x49xf32>
    tpu.vector_store %arg6[%swap3A_39, %swap3A_40, %swap3A_41], %swap3A_44 {strides = array<i32>} : memref<32x1x160xf32, #tpu.memory_space<vmem>>, vector<1x1x49xf32>,
    %slice3A_45 = vector.extract_strided_slice %dot_general3A_10 {offsets = [1, 49], sizes = [1, 49], strides = [1, 1]} : vector<2x1568xf32> to vector<1x49xf32>
    %swap3A_46 = arith.constant 1 : index
    %swap3A_47 = arith.constant 0 : index
    %swap3A_48 = arith.constant 56 : index
    %swap3A_49 = vector.load %arg6[%swap3A_46, %swap3A_47, %swap3A_48] : memref<32x1x160xf32, #tpu.memory_space<vmem>>, vector<1x1x49xf32>
    %swap3A_50 = vector.shape_cast %swap3A_49 : vector<1x1x49xf32> to vector<1x49xf32>
    %swap3A_51 = vector.shape_cast %slice3A_45 : vector<1x49xf32> to vector<1x1x49xf32>
    tpu.vector_store %arg6[%swap3A_46, %swap3A_47, %swap3A_48], %swap3A_51 {strides = array<i32>} : memref<32x1x160xf32, #tpu.memory_space<vmem>>, vector<1x1x49xf32>,
    %slice3A_52 = vector.extract_strided_slice %dot_general3A_18 {offsets = [0, 48], sizes = [1, 48], strides = [1, 1]} : vector<1x1536xf32> to vector<1x48xf32>
    %swap3A_53 = arith.constant 1 : index
    %swap3A_54 = arith.constant 0 : index
    %swap3A_55 = arith.constant 112 : index
    %swap3A_56 = vector.load %arg6[%swap3A_53, %swap3A_54, %swap3A_55] : memref<32x1x160xf32, #tpu.memory_space<vmem>>, vector<1x1x48xf32>
    %swap3A_57 = vector.shape_cast %swap3A_56 : vector<1x1x48xf32> to vector<1x48xf32>
    %swap3A_58 = vector.shape_cast %slice3A_52 : vector<1x48xf32> to vector<1x1x48xf32>
    tpu.vector_store %arg6[%swap3A_53, %swap3A_54, %swap3A_55], %swap3A_58 {strides = array<i32>} : memref<32x1x160xf32, #tpu.memory_space<vmem>>, vector<1x1x48xf32>,
    %slice3A_59 = vector.extract_strided_slice %dot_general3A_10 {offsets = [0, 98], sizes = [1, 49], strides = [1, 1]} : vector<2x1568xf32> to vector<1x49xf32>
    %swap3A_60 = arith.constant 2 : index
    %swap3A_61 = arith.constant 0 : index
    %swap3A_62 = arith.constant 0 : index
    %swap3A_63 = vector.load %arg6[%swap3A_60, %swap3A_61, %swap3A_62] : memref<32x1x160xf32, #tpu.memory_space<vmem>>, vector<1x1x49xf32>
    %swap3A_64 = vector.shape_cast %swap3A_63 : vector<1x1x49xf32> to vector<1x49xf32>
    %swap3A_65 = vector.shape_cast %slice3A_59 : vector<1x49xf32> to vector<1x1x49xf32>
    tpu.vector_store %arg6[%swap3A_60, %swap3A_61, %swap3A_62], %swap3A_65 {strides = array<i32>} : memref<32x1x160xf32, #tpu.memory_space<vmem>>, vector<1x1x49xf32>,
    %slice3A_66 = vector.extract_strided_slice %dot_general3A_10 {offsets = [1, 98], sizes = [1, 49], strides = [1, 1]} : vector<2x1568xf32> to vector<1x49xf32>
    %swap3A_67 = arith.constant 2 : index
    %swap3A_68 = arith.constant 0 : index
    %swap3A_69 = arith.constant 56 : index
    %swap3A_70 = vector.load %arg6[%swap3A_67, %swap3A_68, %swap3A_69] : memref<32x1x160xf32, #tpu.memory_space<vmem>>, vector<1x1x49xf32>
    %swap3A_71 = vector.shape_cast %swap3A_70 : vector<1x1x49xf32> to vector<1x49xf32>
    %swap3A_72 = vector.shape_cast %slice3A_66 : vector<1x49xf32> to vector<1x1x49xf32>
    tpu.vector_store %arg6[%swap3A_67, %swap3A_68, %swap3A_69], %swap3A_72 {strides = array<i32>} : memref<32x1x160xf32, #tpu.memory_space<vmem>>, vector<1x1x49xf32>,
    %slice3A_73 = vector.extract_strided_slice %dot_general3A_18 {offsets = [0, 96], sizes = [1, 48], strides = [1, 1]} : vector<1x1536xf32> to vector<1x48xf32>
    %swap3A_74 = arith.constant 2 : index
    %swap3A_75 = arith.constant 0 : index
    %swap3A_76 = arith.constant 112 : index
    %swap3A_77 = vector.load %arg6[%swap3A_74, %swap3A_75, %swap3A_76] : memref<32x1x160xf32, #tpu.memory_space<vmem>>, vector<1x1x48xf32>
    %swap3A_78 = vector.shape_cast %swap3A_77 : vector<1x1x48xf32> to vector<1x48xf32>
    %swap3A_79 = vector.shape_cast %slice3A_73 : vector<1x48xf32> to vector<1x1x48xf32>
    tpu.vector_store %arg6[%swap3A_74, %swap3A_75, %swap3A_76], %swap3A_79 {strides = array<i32>} : memref<32x1x160xf32, #tpu.memory_space<vmem>>, vector<1x1x48xf32>,
    %slice3A_80 = vector.extract_strided_slice %dot_general3A_10 {offsets = [0, 147], sizes = [1, 49], strides = [1, 1]} : vector<2x1568xf32> to vector<1x49xf32>
    %swap3A_81 = arith.constant 3 : index
    %swap3A_82 = arith.constant 0 : index
    %swap3A_83 = arith.constant 0 : index
    %swap3A_84 = vector.load %arg6[%swap3A_81, %swap3A_82, %swap3A_83] : memref<32x1x160xf32, #tpu.memory_space<vmem>>, vector<1x1x49xf32>
    %swap3A_85 = vector.shape_cast %swap3A_84 : vector<1x1x49xf32> to vector<1x49xf32>
    %swap3A_86 = vector.shape_cast %slice3A_80 : vector<1x49xf32> to vector<1x1x49xf32>
    tpu.vector_store %arg6[%swap3A_81, %swap3A_82, %swap3A_83], %swap3A_86 {strides = array<i32>} : memref<32x1x160xf32, #tpu.memory_space<vmem>>, vector<1x1x49xf32>,
    %slice3A_87 = vector.extract_strided_slice %dot_general3A_10 {offsets = [1, 147], sizes = [1, 49], strides = [1, 1]} : vector<2x1568xf32> to vector<1x49xf32>
    %swap3A_88 = arith.constant 3 : index
    %swap3A_89 = arith.constant 0 : index
    %swap3A_90 = arith.constant 56 : index
    %swap3A_91 = vector.load %arg6[%swap3A_88, %swap3A_89, %swap3A_90] : memref<32x1x160xf32, #tpu.memory_space<vmem>>, vector<1x1x49xf32>
    %swap3A_92 = vector.shape_cast %swap3A_91 : vector<1x1x49xf32> to vector<1x49xf32>
    %swap3A_93 = vector.shape_cast %slice3A_87 : vector<1x49xf32> to vector<1x1x49xf32>
    tpu.vector_store %arg6[%swap3A_88, %swap3A_89, %swap3A_90], %swap3A_93 {strides = array<i32>} : memref<32x1x160xf32, #tpu.memory_space<vmem>>, vector<1x1x49xf32>,
    %slice3A_94 = vector.extract_strided_slice %dot_general3A_18 {offsets = [0, 144], sizes = [1, 48], strides = [1, 1]} : vector<1x1536xf32> to vector<1x48xf32>
    %swap3A_95 = arith.constant 3 : index
    %swap3A_96 = arith.constant 0 : index
    %swap3A_97 = arith.constant 112 : index
    %swap3A_98 = vector.load %arg6[%swap3A_95, %swap3A_96, %swap3A_97] : memref<32x1x160xf32, #tpu.memory_space<vmem>>, vector<1x1x48xf32>
    %swap3A_99 = vector.shape_cast %swap3A_98 : vector<1x1x48xf32> to vector<1x48xf32>
    %swap3A_100 = vector.shape_cast %slice3A_94 : vector<1x48xf32> to vector<1x1x48xf32>
    tpu.vector_store %arg6[%swap3A_95, %swap3A_96, %swap3A_97], %swap3A_100 {strides = array<i32>} : memref<32x1x160xf32, #tpu.memory_space<vmem>>, vector<1x1x48xf32>,
    %slice3A_101 = vector.extract_strided_slice %dot_general3A_10 {offsets = [0, 196], sizes = [1, 49], strides = [1, 1]} : vector<2x1568xf32> to vector<1x49xf32>
    %swap3A_102 = arith.constant 4 : index
    %swap3A_103 = arith.constant 0 : index
    %swap3A_104 = arith.constant 0 : index
    %swap3A_105 = vector.load %arg6[%swap3A_102, %swap3A_103, %swap3A_104] : memref<32x1x160xf32, #tpu.memory_space<vmem>>, vector<1x1x49xf32>
    %swap3A_106 = vector.shape_cast %swap3A_105 : vector<1x1x49xf32> to vector<1x49xf32>
    %swap3A_107 = vector.shape_cast %slice3A_101 : vector<1x49xf32> to vector<1x1x49xf32>
    tpu.vector_store %arg6[%swap3A_102, %swap3A_103, %swap3A_104], %swap3A_107 {strides = array<i32>} : memref<32x1x160xf32, #tpu.memory_space<vmem>>, vector<1x1x49xf32>,
    %slice3A_108 = vector.extract_strided_slice %dot_general3A_10 {offsets = [1, 196], sizes = [1, 49], strides = [1, 1]} : vector<2x1568xf32> to vector<1x49xf32>
    %swap3A_109 = arith.constant 4 : index
    %swap3A_110 = arith.constant 0 : index
    %swap3A_111 = arith.constant 56 : index
    %swap3A_112 = vector.load %arg6[%swap3A_109, %swap3A_110, %swap3A_111] : memref<32x1x160xf32, #tpu.memory_space<vmem>>, vector<1x1x49xf32>
    %swap3A_113 = vector.shape_cast %swap3A_112 : vector<1x1x49xf32> to vector<1x49xf32>
    %swap3A_114 = vector.shape_cast %slice3A_108 : vector<1x49xf32> to vector<1x1x49xf32>
    tpu.vector_store %arg6[%swap3A_109, %swap3A_110, %swap3A_111], %swap3A_114 {strides = array<i32>} : memref<32x1x160xf32, #tpu.memory_space<vmem>>, vector<1x1x49xf32>,
    %slice3A_115 = vector.extract_strided_slice %dot_general3A_18 {offsets = [0, 192], sizes = [1, 48], strides = [1, 1]} : vector<1x1536xf32> to vector<1x48xf32>
    %swap3A_116 = arith.constant 4 : index
    %swap3A_117 = arith.constant 0 : index
    %swap3A_118 = arith.constant 112 : index
    %swap3A_119 = vector.load %arg6[%swap3A_116, %swap3A_117, %swap3A_118] : memref<32x1x160xf32, #tpu.memory_space<vmem>>, vector<1x1x48xf32>
    %swap3A_120 = vector.shape_cast %swap3A_119 : vector<1x1x48xf32> to vector<1x48xf32>
    %swap3A_121 = vector.shape_cast %slice3A_115 : vector<1x48xf32> to vector<1x1x48xf32>
    tpu.vector_store %arg6[%swap3A_116, %swap3A_117, %swap3A_118], %swap3A_121 {strides = array<i32>} : memref<32x1x160xf32, #tpu.memory_space<vmem>>, vector<1x1x48xf32>,
    %slice3A_122 = vector.extract_strided_slice %dot_general3A_10 {offsets = [0, 245], sizes = [1, 49], strides = [1, 1]} : vector<2x1568xf32> to vector<1x49xf32>
    %swap3A_123 = arith.constant 5 : index
    %swap3A_124 = arith.constant 0 : index
    %swap3A_125 = arith.constant 0 : index
    %swap3A_126 = vector.load %arg6[%swap3A_123, %swap3A_124, %swap3A_125] : memref<32x1x160xf32, #tpu.memory_space<vmem>>, vector<1x1x49xf32>
    %swap3A_127 = vector.shape_cast %swap3A_126 : vector<1x1x49xf32> to vector<1x49xf32>
    %swap3A_128 = vector.shape_cast %slice3A_122 : vector<1x49xf32> to vector<1x1x49xf32>
    tpu.vector_store %arg6[%swap3A_123, %swap3A_124, %swap3A_125], %swap3A_128 {strides = array<i32>} : memref<32x1x160xf32, #tpu.memory_space<vmem>>, vector<1x1x49xf32>,
    %slice3A_129 = vector.extract_strided_slice %dot_general3A_10 {offsets = [1, 245], sizes = [1, 49], strides = [1, 1]} : vector<2x1568xf32> to vector<1x49xf32>
    %swap3A_130 = arith.constant 5 : index
    %swap3A_131 = arith.constant 0 : index
    %swap3A_132 = arith.constant 56 : index
    %swap3A_133 = vector.load %arg6[%swap3A_130, %swap3A_131, %swap3A_132] : memref<32x1x160xf32, #tpu.memory_space<vmem>>, vector<1x1x49xf32>
    %swap3A_134 = vector.shape_cast %swap3A_133 : vector<1x1x49xf32> to vector<1x49xf32>
    %swap3A_135 = vector.shape_cast %slice3A_129 : vector<1x49xf32> to vector<1x1x49xf32>
    tpu.vector_store %arg6[%swap3A_130, %swap3A_131, %swap3A_132], %swap3A_135 {strides = array<i32>} : memref<32x1x160xf32, #tpu.memory_space<vmem>>, vector<1x1x49xf32>,
    %slice3A_136 = vector.extract_strided_slice %dot_general3A_18 {offsets = [0, 240], sizes = [1, 48], strides = [1, 1]} : vector<1x1536xf32> to vector<1x48xf32>
    %swap3A_137 = arith.constant 5 : index
    %swap3A_138 = arith.constant 0 : index
    %swap3A_139 = arith.constant 112 : index
    %swap3A_140 = vector.load %arg6[%swap3A_137, %swap3A_138, %swap3A_139] : memref<32x1x160xf32, #tpu.memory_space<vmem>>, vector<1x1x48xf32>
    %swap3A_141 = vector.shape_cast %swap3A_140 : vector<1x1x48xf32> to vector<1x48xf32>
    %swap3A_142 = vector.shape_cast %slice3A_136 : vector<1x48xf32> to vector<1x1x48xf32>
    tpu.vector_store %arg6[%swap3A_137, %swap3A_138, %swap3A_139], %swap3A_142 {strides = array<i32>} : memref<32x1x160xf32, #tpu.memory_space<vmem>>, vector<1x1x48xf32>,
    %slice3A_143 = vector.extract_strided_slice %dot_general3A_10 {offsets = [0, 294], sizes = [1, 49], strides = [1, 1]} : vector<2x1568xf32> to vector<1x49xf32>
    %swap3A_144 = arith.constant 6 : index
    %swap3A_145 = arith.constant 0 : index
    %swap3A_146 = arith.constant 0 : index
    %swap3A_147 = vector.load %arg6[%swap3A_144, %swap3A_145, %swap3A_146] : memref<32x1x160xf32, #tpu.memory_space<vmem>>, vector<1x1x49xf32>
    %swap3A_148 = vector.shape_cast %swap3A_147 : vector<1x1x49xf32> to vector<1x49xf32>
    %swap3A_149 = vector.shape_cast %slice3A_143 : vector<1x49xf32> to vector<1x1x49xf32>
    tpu.vector_store %arg6[%swap3A_144, %swap3A_145, %swap3A_146], %swap3A_149 {strides = array<i32>} : memref<32x1x160xf32, #tpu.memory_space<vmem>>, vector<1x1x49xf32>,
    %slice3A_150 = vector.extract_strided_slice %dot_general3A_10 {offsets = [1, 294], sizes = [1, 49], strides = [1, 1]} : vector<2x1568xf32> to vector<1x49xf32>
    %swap3A_151 = arith.constant 6 : index
    %swap3A_152 = arith.constant 0 : index
    %swap3A_153 = arith.constant 56 : index
    %swap3A_154 = vector.load %arg6[%swap3A_151, %swap3A_152, %swap3A_153] : memref<32x1x160xf32, #tpu.memory_space<vmem>>, vector<1x1x49xf32>
    %swap3A_155 = vector.shape_cast %swap3A_154 : vector<1x1x49xf32> to vector<1x49xf32>
    %swap3A_156 = vector.shape_cast %slice3A_150 : vector<1x49xf32> to vector<1x1x49xf32>
    tpu.vector_store %arg6[%swap3A_151, %swap3A_152, %swap3A_153], %swap3A_156 {strides = array<i32>} : memref<32x1x160xf32, #tpu.memory_space<vmem>>, vector<1x1x49xf32>,
    %slice3A_157 = vector.extract_strided_slice %dot_general3A_18 {offsets = [0, 288], sizes = [1, 48], strides = [1, 1]} : vector<1x1536xf32> to vector<1x48xf32>
    %swap3A_158 = arith.constant 6 : index
    %swap3A_159 = arith.constant 0 : index
    %swap3A_160 = arith.constant 112 : index
    %swap3A_161 = vector.load %arg6[%swap3A_158, %swap3A_159, %swap3A_160] : memref<32x1x160xf32, #tpu.memory_space<vmem>>, vector<1x1x48xf32>
    %swap3A_162 = vector.shape_cast %swap3A_161 : vector<1x1x48xf32> to vector<1x48xf32>
    %swap3A_163 = vector.shape_cast %slice3A_157 : vector<1x48xf32> to vector<1x1x48xf32>
    tpu.vector_store %arg6[%swap3A_158, %swap3A_159, %swap3A_160], %swap3A_163 {strides = array<i32>} : memref<32x1x160xf32, #tpu.memory_space<vmem>>, vector<1x1x48xf32>,
    %slice3A_164 = vector.extract_strided_slice %dot_general3A_10 {offsets = [0, 343], sizes = [1, 49], strides = [1, 1]} : vector<2x1568xf32> to vector<1x49xf32>
    %swap3A_165 = arith.constant 7 : index
    %swap3A_166 = arith.constant 0 : index
    %swap3A_167 = arith.constant 0 : index
    %swap3A_168 = vector.load %arg6[%swap3A_165, %swap3A_166, %swap3A_167] : memref<32x1x160xf32, #tpu.memory_space<vmem>>, vector<1x1x49xf32>
    %swap3A_169 = vector.shape_cast %swap3A_168 : vector<1x1x49xf32> to vector<1x49xf32>
    %swap3A_170 = vector.shape_cast %slice3A_164 : vector<1x49xf32> to vector<1x1x49xf32>
    tpu.vector_store %arg6[%swap3A_165, %swap3A_166, %swap3A_167], %swap3A_170 {strides = array<i32>} : memref<32x1x160xf32, #tpu.memory_space<vmem>>, vector<1x1x49xf32>,
    %slice3A_171 = vector.extract_strided_slice %dot_general3A_10 {offsets = [1, 343], sizes = [1, 49], strides = [1, 1]} : vector<2x1568xf32> to vector<1x49xf32>
    %swap3A_172 = arith.constant 7 : index
    %swap3A_173 = arith.constant 0 : index
    %swap3A_174 = arith.constant 56 : index
    %swap3A_175 = vector.load %arg6[%swap3A_172, %swap3A_173, %swap3A_174] : memref<32x1x160xf32, #tpu.memory_space<vmem>>, vector<1x1x49xf32>
    %swap3A_176 = vector.shape_cast %swap3A_175 : vector<1x1x49xf32> to vector<1x49xf32>
    %swap3A_177 = vector.shape_cast %slice3A_171 : vector<1x49xf32> to vector<1x1x49xf32>
    tpu.vector_store %arg6[%swap3A_172, %swap3A_173, %swap3A_174], %swap3A_177 {strides = array<i32>} : memref<32x1x160xf32, #tpu.memory_space<vmem>>, vector<1x1x49xf32>,
    %slice3A_178 = vector.extract_strided_slice %dot_general3A_18 {offsets = [0, 336], sizes = [1, 48], strides = [1, 1]} : vector<1x1536xf32> to vector<1x48xf32>
    %swap3A_179 = arith.constant 7 : index
    %swap3A_180 = arith.constant 0 : index
    %swap3A_181 = arith.constant 112 : index
    %swap3A_182 = vector.load %arg6[%swap3A_179, %swap3A_180, %swap3A_181] : memref<32x1x160xf32, #tpu.memory_space<vmem>>, vector<1x1x48xf32>
    %swap3A_183 = vector.shape_cast %swap3A_182 : vector<1x1x48xf32> to vector<1x48xf32>
    %swap3A_184 = vector.shape_cast %slice3A_178 : vector<1x48xf32> to vector<1x1x48xf32>
    tpu.vector_store %arg6[%swap3A_179, %swap3A_180, %swap3A_181], %swap3A_184 {strides = array<i32>} : memref<32x1x160xf32, #tpu.memory_space<vmem>>, vector<1x1x48xf32>,
    %slice3A_185 = vector.extract_strided_slice %dot_general3A_10 {offsets = [0, 392], sizes = [1, 49], strides = [1, 1]} : vector<2x1568xf32> to vector<1x49xf32>
    %swap3A_186 = arith.constant 8 : index
    %swap3A_187 = arith.constant 0 : index
    %swap3A_188 = arith.constant 0 : index
    %swap3A_189 = vector.load %arg6[%swap3A_186, %swap3A_187, %swap3A_188] : memref<32x1x160xf32, #tpu.memory_space<vmem>>, vector<1x1x49xf32>
    %swap3A_190 = vector.shape_cast %swap3A_189 : vector<1x1x49xf32> to vector<1x49xf32>
    %swap3A_191 = vector.shape_cast %slice3A_185 : vector<1x49xf32> to vector<1x1x49xf32>
    tpu.vector_store %arg6[%swap3A_186, %swap3A_187, %swap3A_188], %swap3A_191 {strides = array<i32>} : memref<32x1x160xf32, #tpu.memory_space<vmem>>, vector<1x1x49xf32>,
    %slice3A_192 = vector.extract_strided_slice %dot_general3A_10 {offsets = [1, 392], sizes = [1, 49], strides = [1, 1]} : vector<2x1568xf32> to vector<1x49xf32>
    %swap3A_193 = arith.constant 8 : index
    %swap3A_194 = arith.constant 0 : index
    %swap3A_195 = arith.constant 56 : index
    %swap3A_196 = vector.load %arg6[%swap3A_193, %swap3A_194, %swap3A_195] : memref<32x1x160xf32, #tpu.memory_space<vmem>>, vector<1x1x49xf32>
    %swap3A_197 = vector.shape_cast %swap3A_196 : vector<1x1x49xf32> to vector<1x49xf32>
    %swap3A_198 = vector.shape_cast %slice3A_192 : vector<1x49xf32> to vector<1x1x49xf32>
    tpu.vector_store %arg6[%swap3A_193, %swap3A_194, %swap3A_195], %swap3A_198 {strides = array<i32>} : memref<32x1x160xf32, #tpu.memory_space<vmem>>, vector<1x1x49xf32>,
    %slice3A_199 = vector.extract_strided_slice %dot_general3A_18 {offsets = [0, 384], sizes = [1, 48], strides = [1, 1]} : vector<1x1536xf32> to vector<1x48xf32>
    %swap3A_200 = arith.constant 8 : index
    %swap3A_201 = arith.constant 0 : index
    %swap3A_202 = arith.constant 112 : index
    %swap3A_203 = vector.load %arg6[%swap3A_200, %swap3A_201, %swap3A_202] : memref<32x1x160xf32, #tpu.memory_space<vmem>>, vector<1x1x48xf32>
    %swap3A_204 = vector.shape_cast %swap3A_203 : vector<1x1x48xf32> to vector<1x48xf32>
    %swap3A_205 = vector.shape_cast %slice3A_199 : vector<1x48xf32> to vector<1x1x48xf32>
    tpu.vector_store %arg6[%swap3A_200, %swap3A_201, %swap3A_202], %swap3A_205 {strides = array<i32>} : memref<32x1x160xf32, #tpu.memory_space<vmem>>, vector<1x1x48xf32>,
    %slice3A_206 = vector.extract_strided_slice %dot_general3A_10 {offsets = [0, 441], sizes = [1, 49], strides = [1, 1]} : vector<2x1568xf32> to vector<1x49xf32>
    %swap3A_207 = arith.constant 9 : index
    %swap3A_208 = arith.constant 0 : index
    %swap3A_209 = arith.constant 0 : index
    %swap3A_210 = vector.load %arg6[%swap3A_207, %swap3A_208, %swap3A_209] : memref<32x1x160xf32, #tpu.memory_space<vmem>>, vector<1x1x49xf32>
    %swap3A_211 = vector.shape_cast %swap3A_210 : vector<1x1x49xf32> to vector<1x49xf32>
    %swap3A_212 = vector.shape_cast %slice3A_206 : vector<1x49xf32> to vector<1x1x49xf32>
    tpu.vector_store %arg6[%swap3A_207, %swap3A_208, %swap3A_209], %swap3A_212 {strides = array<i32>} : memref<32x1x160xf32, #tpu.memory_space<vmem>>, vector<1x1x49xf32>,
    %slice3A_213 = vector.extract_strided_slice %dot_general3A_10 {offsets = [1, 441], sizes = [1, 49], strides = [1, 1]} : vector<2x1568xf32> to vector<1x49xf32>
    %swap3A_214 = arith.constant 9 : index
    %swap3A_215 = arith.constant 0 : index
    %swap3A_216 = arith.constant 56 : index
    %swap3A_217 = vector.load %arg6[%swap3A_214, %swap3A_215, %swap3A_216] : memref<32x1x160xf32, #tpu.memory_space<vmem>>, vector<1x1x49xf32>
    %swap3A_218 = vector.shape_cast %swap3A_217 : vector<1x1x49xf32> to vector<1x49xf32>
    %swap3A_219 = vector.shape_cast %slice3A_213 : vector<1x49xf32> to vector<1x1x49xf32>
    tpu.vector_store %arg6[%swap3A_214, %swap3A_215, %swap3A_216], %swap3A_219 {strides = array<i32>} : memref<32x1x160xf32, #tpu.memory_space<vmem>>, vector<1x1x49xf32>,
    %slice3A_220 = vector.extract_strided_slice %dot_general3A_18 {offsets = [0, 432], sizes = [1, 48], strides = [1, 1]} : vector<1x1536xf32> to vector<1x48xf32>
    %swap3A_221 = arith.constant 9 : index
    %swap3A_222 = arith.constant 0 : index
    %swap3A_223 = arith.constant 112 : index
    %swap3A_224 = vector.load %arg6[%swap3A_221, %swap3A_222, %swap3A_223] : memref<32x1x160xf32, #tpu.memory_space<vmem>>, vector<1x1x48xf32>
    %swap3A_225 = vector.shape_cast %swap3A_224 : vector<1x1x48xf32> to vector<1x48xf32>
    %swap3A_226 = vector.shape_cast %slice3A_220 : vector<1x48xf32> to vector<1x1x48xf32>
    tpu.vector_store %arg6[%swap3A_221, %swap3A_222, %swap3A_223], %swap3A_226 {strides = array<i32>} : memref<32x1x160xf32, #tpu.memory_space<vmem>>, vector<1x1x48xf32>,
    %slice3A_227 = vector.extract_strided_slice %dot_general3A_10 {offsets = [0, 490], sizes = [1, 49], strides = [1, 1]} : vector<2x1568xf32> to vector<1x49xf32>
    %swap3A_228 = arith.constant 10 : index
    %swap3A_229 = arith.constant 0 : index
    %swap3A_230 = arith.constant 0 : index
    %swap3A_231 = vector.load %arg6[%swap3A_228, %swap3A_229, %swap3A_230] : memref<32x1x160xf32, #tpu.memory_space<vmem>>, vector<1x1x49xf32>
    %swap3A_232 = vector.shape_cast %swap3A_231 : vector<1x1x49xf32> to vector<1x49xf32>
    %swap3A_233 = vector.shape_cast %slice3A_227 : vector<1x49xf32> to vector<1x1x49xf32>
    tpu.vector_store %arg6[%swap3A_228, %swap3A_229, %swap3A_230], %swap3A_233 {strides = array<i32>} : memref<32x1x160xf32, #tpu.memory_space<vmem>>, vector<1x1x49xf32>,
    %slice3A_234 = vector.extract_strided_slice %dot_general3A_10 {offsets = [1, 490], sizes = [1, 49], strides = [1, 1]} : vector<2x1568xf32> to vector<1x49xf32>
    %swap3A_235 = arith.constant 10 : index
    %swap3A_236 = arith.constant 0 : index
    %swap3A_237 = arith.constant 56 : index
    %swap3A_238 = vector.load %arg6[%swap3A_235, %swap3A_236, %swap3A_237] : memref<32x1x160xf32, #tpu.memory_space<vmem>>, vector<1x1x49xf32>
    %swap3A_239 = vector.shape_cast %swap3A_238 : vector<1x1x49xf32> to vector<1x49xf32>
    %swap3A_240 = vector.shape_cast %slice3A_234 : vector<1x49xf32> to vector<1x1x49xf32>
    tpu.vector_store %arg6[%swap3A_235, %swap3A_236, %swap3A_237], %swap3A_240 {strides = array<i32>} : memref<32x1x160xf32, #tpu.memory_space<vmem>>, vector<1x1x49xf32>,
    %slice3A_241 = vector.extract_strided_slice %dot_general3A_18 {offsets = [0, 480], sizes = [1, 48], strides = [1, 1]} : vector<1x1536xf32> to vector<1x48xf32>
    %swap3A_242 = arith.constant 10 : index
    %swap3A_243 = arith.constant 0 : index
    %swap3A_244 = arith.constant 112 : index
    %swap3A_245 = vector.load %arg6[%swap3A_242, %swap3A_243, %swap3A_244] : memref<32x1x160xf32, #tpu.memory_space<vmem>>, vector<1x1x48xf32>
    %swap3A_246 = vector.shape_cast %swap3A_245 : vector<1x1x48xf32> to vector<1x48xf32>
    %swap3A_247 = vector.shape_cast %slice3A_241 : vector<1x48xf32> to vector<1x1x48xf32>
    tpu.vector_store %arg6[%swap3A_242, %swap3A_243, %swap3A_244], %swap3A_247 {strides = array<i32>} : memref<32x1x160xf32, #tpu.memory_space<vmem>>, vector<1x1x48xf32>,
    %slice3A_248 = vector.extract_strided_slice %dot_general3A_10 {offsets = [0, 539], sizes = [1, 49], strides = [1, 1]} : vector<2x1568xf32> to vector<1x49xf32>
    %swap3A_249 = arith.constant 11 : index
    %swap3A_250 = arith.constant 0 : index
    %swap3A_251 = arith.constant 0 : index
    %swap3A_252 = vector.load %arg6[%swap3A_249, %swap3A_250, %swap3A_251] : memref<32x1x160xf32, #tpu.memory_space<vmem>>, vector<1x1x49xf32>
    %swap3A_253 = vector.shape_cast %swap3A_252 : vector<1x1x49xf32> to vector<1x49xf32>
    %swap3A_254 = vector.shape_cast %slice3A_248 : vector<1x49xf32> to vector<1x1x49xf32>
    tpu.vector_store %arg6[%swap3A_249, %swap3A_250, %swap3A_251], %swap3A_254 {strides = array<i32>} : memref<32x1x160xf32, #tpu.memory_space<vmem>>, vector<1x1x49xf32>,
    %slice3A_255 = vector.extract_strided_slice %dot_general3A_10 {offsets = [1, 539], sizes = [1, 49], strides = [1, 1]} : vector<2x1568xf32> to vector<1x49xf32>
    %swap3A_256 = arith.constant 11 : index
    %swap3A_257 = arith.constant 0 : index
    %swap3A_258 = arith.constant 56 : index
    %swap3A_259 = vector.load %arg6[%swap3A_256, %swap3A_257, %swap3A_258] : memref<32x1x160xf32, #tpu.memory_space<vmem>>, vector<1x1x49xf32>
    %swap3A_260 = vector.shape_cast %swap3A_259 : vector<1x1x49xf32> to vector<1x49xf32>
    %swap3A_261 = vector.shape_cast %slice3A_255 : vector<1x49xf32> to vector<1x1x49xf32>
    tpu.vector_store %arg6[%swap3A_256, %swap3A_257, %swap3A_258], %swap3A_261 {strides = array<i32>} : memref<32x1x160xf32, #tpu.memory_space<vmem>>, vector<1x1x49xf32>,
    %slice3A_262 = vector.extract_strided_slice %dot_general3A_18 {offsets = [0, 528], sizes = [1, 48], strides = [1, 1]} : vector<1x1536xf32> to vector<1x48xf32>
    %swap3A_263 = arith.constant 11 : index
    %swap3A_264 = arith.constant 0 : index
    %swap3A_265 = arith.constant 112 : index
    %swap3A_266 = vector.load %arg6[%swap3A_263, %swap3A_264, %swap3A_265] : memref<32x1x160xf32, #tpu.memory_space<vmem>>, vector<1x1x48xf32>
    %swap3A_267 = vector.shape_cast %swap3A_266 : vector<1x1x48xf32> to vector<1x48xf32>
    %swap3A_268 = vector.shape_cast %slice3A_262 : vector<1x48xf32> to vector<1x1x48xf32>
    tpu.vector_store %arg6[%swap3A_263, %swap3A_264, %swap3A_265], %swap3A_268 {strides = array<i32>} : memref<32x1x160xf32, #tpu.memory_space<vmem>>, vector<1x1x48xf32>,
    %slice3A_269 = vector.extract_strided_slice %dot_general3A_10 {offsets = [0, 588], sizes = [1, 49], strides = [1, 1]} : vector<2x1568xf32> to vector<1x49xf32>
    %swap3A_270 = arith.constant 12 : index
    %swap3A_271 = arith.constant 0 : index
    %swap3A_272 = arith.constant 0 : index
    %swap3A_273 = vector.load %arg6[%swap3A_270, %swap3A_271, %swap3A_272] : memref<32x1x160xf32, #tpu.memory_space<vmem>>, vector<1x1x49xf32>
    %swap3A_274 = vector.shape_cast %swap3A_273 : vector<1x1x49xf32> to vector<1x49xf32>
    %swap3A_275 = vector.shape_cast %slice3A_269 : vector<1x49xf32> to vector<1x1x49xf32>
    tpu.vector_store %arg6[%swap3A_270, %swap3A_271, %swap3A_272], %swap3A_275 {strides = array<i32>} : memref<32x1x160xf32, #tpu.memory_space<vmem>>, vector<1x1x49xf32>,
    %slice3A_276 = vector.extract_strided_slice %dot_general3A_10 {offsets = [1, 588], sizes = [1, 49], strides = [1, 1]} : vector<2x1568xf32> to vector<1x49xf32>
    %swap3A_277 = arith.constant 12 : index
    %swap3A_278 = arith.constant 0 : index
    %swap3A_279 = arith.constant 56 : index
    %swap3A_280 = vector.load %arg6[%swap3A_277, %swap3A_278, %swap3A_279] : memref<32x1x160xf32, #tpu.memory_space<vmem>>, vector<1x1x49xf32>
    %swap3A_281 = vector.shape_cast %swap3A_280 : vector<1x1x49xf32> to vector<1x49xf32>
    %swap3A_282 = vector.shape_cast %slice3A_276 : vector<1x49xf32> to vector<1x1x49xf32>
    tpu.vector_store %arg6[%swap3A_277, %swap3A_278, %swap3A_279], %swap3A_282 {strides = array<i32>} : memref<32x1x160xf32, #tpu.memory_space<vmem>>, vector<1x1x49xf32>,
    %slice3A_283 = vector.extract_strided_slice %dot_general3A_18 {offsets = [0, 576], sizes = [1, 48], strides = [1, 1]} : vector<1x1536xf32> to vector<1x48xf32>
    %swap3A_284 = arith.constant 12 : index
    %swap3A_285 = arith.constant 0 : index
    %swap3A_286 = arith.constant 112 : index
    %swap3A_287 = vector.load %arg6[%swap3A_284, %swap3A_285, %swap3A_286] : memref<32x1x160xf32, #tpu.memory_space<vmem>>, vector<1x1x48xf32>
    %swap3A_288 = vector.shape_cast %swap3A_287 : vector<1x1x48xf32> to vector<1x48xf32>
    %swap3A_289 = vector.shape_cast %slice3A_283 : vector<1x48xf32> to vector<1x1x48xf32>
    tpu.vector_store %arg6[%swap3A_284, %swap3A_285, %swap3A_286], %swap3A_289 {strides = array<i32>} : memref<32x1x160xf32, #tpu.memory_space<vmem>>, vector<1x1x48xf32>,
    %slice3A_290 = vector.extract_strided_slice %dot_general3A_10 {offsets = [0, 637], sizes = [1, 49], strides = [1, 1]} : vector<2x1568xf32> to vector<1x49xf32>
    %swap3A_291 = arith.constant 13 : index
    %swap3A_292 = arith.constant 0 : index
    %swap3A_293 = arith.constant 0 : index
    %swap3A_294 = vector.load %arg6[%swap3A_291, %swap3A_292, %swap3A_293] : memref<32x1x160xf32, #tpu.memory_space<vmem>>, vector<1x1x49xf32>
    %swap3A_295 = vector.shape_cast %swap3A_294 : vector<1x1x49xf32> to vector<1x49xf32>
    %swap3A_296 = vector.shape_cast %slice3A_290 : vector<1x49xf32> to vector<1x1x49xf32>
    tpu.vector_store %arg6[%swap3A_291, %swap3A_292, %swap3A_293], %swap3A_296 {strides = array<i32>} : memref<32x1x160xf32, #tpu.memory_space<vmem>>, vector<1x1x49xf32>,
    %slice3A_297 = vector.extract_strided_slice %dot_general3A_10 {offsets = [1, 637], sizes = [1, 49], strides = [1, 1]} : vector<2x1568xf32> to vector<1x49xf32>
    %swap3A_298 = arith.constant 13 : index
    %swap3A_299 = arith.constant 0 : index
    %swap3A_300 = arith.constant 56 : index
    %swap3A_301 = vector.load %arg6[%swap3A_298, %swap3A_299, %swap3A_300] : memref<32x1x160xf32, #tpu.memory_space<vmem>>, vector<1x1x49xf32>
    %swap3A_302 = vector.shape_cast %swap3A_301 : vector<1x1x49xf32> to vector<1x49xf32>
    %swap3A_303 = vector.shape_cast %slice3A_297 : vector<1x49xf32> to vector<1x1x49xf32>
    tpu.vector_store %arg6[%swap3A_298, %swap3A_299, %swap3A_300], %swap3A_303 {strides = array<i32>} : memref<32x1x160xf32, #tpu.memory_space<vmem>>, vector<1x1x49xf32>,
    %slice3A_304 = vector.extract_strided_slice %dot_general3A_18 {offsets = [0, 624], sizes = [1, 48], strides = [1, 1]} : vector<1x1536xf32> to vector<1x48xf32>
    %swap3A_305 = arith.constant 13 : index
    %swap3A_306 = arith.constant 0 : index
    %swap3A_307 = arith.constant 112 : index
    %swap3A_308 = vector.load %arg6[%swap3A_305, %swap3A_306, %swap3A_307] : memref<32x1x160xf32, #tpu.memory_space<vmem>>, vector<1x1x48xf32>
    %swap3A_309 = vector.shape_cast %swap3A_308 : vector<1x1x48xf32> to vector<1x48xf32>
    %swap3A_310 = vector.shape_cast %slice3A_304 : vector<1x48xf32> to vector<1x1x48xf32>
    tpu.vector_store %arg6[%swap3A_305, %swap3A_306, %swap3A_307], %swap3A_310 {strides = array<i32>} : memref<32x1x160xf32, #tpu.memory_space<vmem>>, vector<1x1x48xf32>,
    %slice3A_311 = vector.extract_strided_slice %dot_general3A_10 {offsets = [0, 686], sizes = [1, 49], strides = [1, 1]} : vector<2x1568xf32> to vector<1x49xf32>
    %swap3A_312 = arith.constant 14 : index
    %swap3A_313 = arith.constant 0 : index
    %swap3A_314 = arith.constant 0 : index
    %swap3A_315 = vector.load %arg6[%swap3A_312, %swap3A_313, %swap3A_314] : memref<32x1x160xf32, #tpu.memory_space<vmem>>, vector<1x1x49xf32>
    %swap3A_316 = vector.shape_cast %swap3A_315 : vector<1x1x49xf32> to vector<1x49xf32>
    %swap3A_317 = vector.shape_cast %slice3A_311 : vector<1x49xf32> to vector<1x1x49xf32>
    tpu.vector_store %arg6[%swap3A_312, %swap3A_313, %swap3A_314], %swap3A_317 {strides = array<i32>} : memref<32x1x160xf32, #tpu.memory_space<vmem>>, vector<1x1x49xf32>,
    %slice3A_318 = vector.extract_strided_slice %dot_general3A_10 {offsets = [1, 686], sizes = [1, 49], strides = [1, 1]} : vector<2x1568xf32> to vector<1x49xf32>
    %swap3A_319 = arith.constant 14 : index
    %swap3A_320 = arith.constant 0 : index
    %swap3A_321 = arith.constant 56 : index
    %swap3A_322 = vector.load %arg6[%swap3A_319, %swap3A_320, %swap3A_321] : memref<32x1x160xf32, #tpu.memory_space<vmem>>, vector<1x1x49xf32>
    %swap3A_323 = vector.shape_cast %swap3A_322 : vector<1x1x49xf32> to vector<1x49xf32>
    %swap3A_324 = vector.shape_cast %slice3A_318 : vector<1x49xf32> to vector<1x1x49xf32>
    tpu.vector_store %arg6[%swap3A_319, %swap3A_320, %swap3A_321], %swap3A_324 {strides = array<i32>} : memref<32x1x160xf32, #tpu.memory_space<vmem>>, vector<1x1x49xf32>,
    %slice3A_325 = vector.extract_strided_slice %dot_general3A_18 {offsets = [0, 672], sizes = [1, 48], strides = [1, 1]} : vector<1x1536xf32> to vector<1x48xf32>
    %swap3A_326 = arith.constant 14 : index
    %swap3A_327 = arith.constant 0 : index
    %swap3A_328 = arith.constant 112 : index
    %swap3A_329 = vector.load %arg6[%swap3A_326, %swap3A_327, %swap3A_328] : memref<32x1x160xf32, #tpu.memory_space<vmem>>, vector<1x1x48xf32>
    %swap3A_330 = vector.shape_cast %swap3A_329 : vector<1x1x48xf32> to vector<1x48xf32>
    %swap3A_331 = vector.shape_cast %slice3A_325 : vector<1x48xf32> to vector<1x1x48xf32>
    tpu.vector_store %arg6[%swap3A_326, %swap3A_327, %swap3A_328], %swap3A_331 {strides = array<i32>} : memref<32x1x160xf32, #tpu.memory_space<vmem>>, vector<1x1x48xf32>,
    %slice3A_332 = vector.extract_strided_slice %dot_general3A_10 {offsets = [0, 735], sizes = [1, 49], strides = [1, 1]} : vector<2x1568xf32> to vector<1x49xf32>
    %swap3A_333 = arith.constant 15 : index
    %swap3A_334 = arith.constant 0 : index
    %swap3A_335 = arith.constant 0 : index
    %swap3A_336 = vector.load %arg6[%swap3A_333, %swap3A_334, %swap3A_335] : memref<32x1x160xf32, #tpu.memory_space<vmem>>, vector<1x1x49xf32>
    %swap3A_337 = vector.shape_cast %swap3A_336 : vector<1x1x49xf32> to vector<1x49xf32>
    %swap3A_338 = vector.shape_cast %slice3A_332 : vector<1x49xf32> to vector<1x1x49xf32>
    tpu.vector_store %arg6[%swap3A_333, %swap3A_334, %swap3A_335], %swap3A_338 {strides = array<i32>} : memref<32x1x160xf32, #tpu.memory_space<vmem>>, vector<1x1x49xf32>,
    %slice3A_339 = vector.extract_strided_slice %dot_general3A_10 {offsets = [1, 735], sizes = [1, 49], strides = [1, 1]} : vector<2x1568xf32> to vector<1x49xf32>
    %swap3A_340 = arith.constant 15 : index
    %swap3A_341 = arith.constant 0 : index
    %swap3A_342 = arith.constant 56 : index
    %swap3A_343 = vector.load %arg6[%swap3A_340, %swap3A_341, %swap3A_342] : memref<32x1x160xf32, #tpu.memory_space<vmem>>, vector<1x1x49xf32>
    %swap3A_344 = vector.shape_cast %swap3A_343 : vector<1x1x49xf32> to vector<1x49xf32>
    %swap3A_345 = vector.shape_cast %slice3A_339 : vector<1x49xf32> to vector<1x1x49xf32>
    tpu.vector_store %arg6[%swap3A_340, %swap3A_341, %swap3A_342], %swap3A_345 {strides = array<i32>} : memref<32x1x160xf32, #tpu.memory_space<vmem>>, vector<1x1x49xf32>,
    %slice3A_346 = vector.extract_strided_slice %dot_general3A_18 {offsets = [0, 720], sizes = [1, 48], strides = [1, 1]} : vector<1x1536xf32> to vector<1x48xf32>
    %swap3A_347 = arith.constant 15 : index
    %swap3A_348 = arith.constant 0 : index
    %swap3A_349 = arith.constant 112 : index
    %swap3A_350 = vector.load %arg6[%swap3A_347, %swap3A_348, %swap3A_349] : memref<32x1x160xf32, #tpu.memory_space<vmem>>, vector<1x1x48xf32>
    %swap3A_351 = vector.shape_cast %swap3A_350 : vector<1x1x48xf32> to vector<1x48xf32>
    %swap3A_352 = vector.shape_cast %slice3A_346 : vector<1x48xf32> to vector<1x1x48xf32>
    tpu.vector_store %arg6[%swap3A_347, %swap3A_348, %swap3A_349], %swap3A_352 {strides = array<i32>} : memref<32x1x160xf32, #tpu.memory_space<vmem>>, vector<1x1x48xf32>,
    %slice3A_353 = vector.extract_strided_slice %dot_general3A_10 {offsets = [0, 784], sizes = [1, 49], strides = [1, 1]} : vector<2x1568xf32> to vector<1x49xf32>
    %swap3A_354 = arith.constant 16 : index
    %swap3A_355 = arith.constant 0 : index
    %swap3A_356 = arith.constant 0 : index
    %swap3A_357 = vector.load %arg6[%swap3A_354, %swap3A_355, %swap3A_356] : memref<32x1x160xf32, #tpu.memory_space<vmem>>, vector<1x1x49xf32>
    %swap3A_358 = vector.shape_cast %swap3A_357 : vector<1x1x49xf32> to vector<1x49xf32>
    %swap3A_359 = vector.shape_cast %slice3A_353 : vector<1x49xf32> to vector<1x1x49xf32>
    tpu.vector_store %arg6[%swap3A_354, %swap3A_355, %swap3A_356], %swap3A_359 {strides = array<i32>} : memref<32x1x160xf32, #tpu.memory_space<vmem>>, vector<1x1x49xf32>,
    %slice3A_360 = vector.extract_strided_slice %dot_general3A_10 {offsets = [1, 784], sizes = [1, 49], strides = [1, 1]} : vector<2x1568xf32> to vector<1x49xf32>
    %swap3A_361 = arith.constant 16 : index
    %swap3A_362 = arith.constant 0 : index
    %swap3A_363 = arith.constant 56 : index
    %swap3A_364 = vector.load %arg6[%swap3A_361, %swap3A_362, %swap3A_363] : memref<32x1x160xf32, #tpu.memory_space<vmem>>, vector<1x1x49xf32>
    %swap3A_365 = vector.shape_cast %swap3A_364 : vector<1x1x49xf32> to vector<1x49xf32>
    %swap3A_366 = vector.shape_cast %slice3A_360 : vector<1x49xf32> to vector<1x1x49xf32>
    tpu.vector_store %arg6[%swap3A_361, %swap3A_362, %swap3A_363], %swap3A_366 {strides = array<i32>} : memref<32x1x160xf32, #tpu.memory_space<vmem>>, vector<1x1x49xf32>,
    %slice3A_367 = vector.extract_strided_slice %dot_general3A_18 {offsets = [0, 768], sizes = [1, 48], strides = [1, 1]} : vector<1x1536xf32> to vector<1x48xf32>
    %swap3A_368 = arith.constant 16 : index
    %swap3A_369 = arith.constant 0 : index
    %swap3A_370 = arith.constant 112 : index
    %swap3A_371 = vector.load %arg6[%swap3A_368, %swap3A_369, %swap3A_370] : memref<32x1x160xf32, #tpu.memory_space<vmem>>, vector<1x1x48xf32>
    %swap3A_372 = vector.shape_cast %swap3A_371 : vector<1x1x48xf32> to vector<1x48xf32>
    %swap3A_373 = vector.shape_cast %slice3A_367 : vector<1x48xf32> to vector<1x1x48xf32>
    tpu.vector_store %arg6[%swap3A_368, %swap3A_369, %swap3A_370], %swap3A_373 {strides = array<i32>} : memref<32x1x160xf32, #tpu.memory_space<vmem>>, vector<1x1x48xf32>,
    %slice3A_374 = vector.extract_strided_slice %dot_general3A_10 {offsets = [0, 833], sizes = [1, 49], strides = [1, 1]} : vector<2x1568xf32> to vector<1x49xf32>
    %swap3A_375 = arith.constant 17 : index
    %swap3A_376 = arith.constant 0 : index
    %swap3A_377 = arith.constant 0 : index
    %swap3A_378 = vector.load %arg6[%swap3A_375, %swap3A_376, %swap3A_377] : memref<32x1x160xf32, #tpu.memory_space<vmem>>, vector<1x1x49xf32>
    %swap3A_379 = vector.shape_cast %swap3A_378 : vector<1x1x49xf32> to vector<1x49xf32>
    %swap3A_380 = vector.shape_cast %slice3A_374 : vector<1x49xf32> to vector<1x1x49xf32>
    tpu.vector_store %arg6[%swap3A_375, %swap3A_376, %swap3A_377], %swap3A_380 {strides = array<i32>} : memref<32x1x160xf32, #tpu.memory_space<vmem>>, vector<1x1x49xf32>,
    %slice3A_381 = vector.extract_strided_slice %dot_general3A_10 {offsets = [1, 833], sizes = [1, 49], strides = [1, 1]} : vector<2x1568xf32> to vector<1x49xf32>
    %swap3A_382 = arith.constant 17 : index
    %swap3A_383 = arith.constant 0 : index
    %swap3A_384 = arith.constant 56 : index
    %swap3A_385 = vector.load %arg6[%swap3A_382, %swap3A_383, %swap3A_384] : memref<32x1x160xf32, #tpu.memory_space<vmem>>, vector<1x1x49xf32>
    %swap3A_386 = vector.shape_cast %swap3A_385 : vector<1x1x49xf32> to vector<1x49xf32>
    %swap3A_387 = vector.shape_cast %slice3A_381 : vector<1x49xf32> to vector<1x1x49xf32>
    tpu.vector_store %arg6[%swap3A_382, %swap3A_383, %swap3A_384], %swap3A_387 {strides = array<i32>} : memref<32x1x160xf32, #tpu.memory_space<vmem>>, vector<1x1x49xf32>,
    %slice3A_388 = vector.extract_strided_slice %dot_general3A_18 {offsets = [0, 816], sizes = [1, 48], strides = [1, 1]} : vector<1x1536xf32> to vector<1x48xf32>
    %swap3A_389 = arith.constant 17 : index
    %swap3A_390 = arith.constant 0 : index
    %swap3A_391 = arith.constant 112 : index
    %swap3A_392 = vector.load %arg6[%swap3A_389, %swap3A_390, %swap3A_391] : memref<32x1x160xf32, #tpu.memory_space<vmem>>, vector<1x1x48xf32>
    %swap3A_393 = vector.shape_cast %swap3A_392 : vector<1x1x48xf32> to vector<1x48xf32>
    %swap3A_394 = vector.shape_cast %slice3A_388 : vector<1x48xf32> to vector<1x1x48xf32>
    tpu.vector_store %arg6[%swap3A_389, %swap3A_390, %swap3A_391], %swap3A_394 {strides = array<i32>} : memref<32x1x160xf32, #tpu.memory_space<vmem>>, vector<1x1x48xf32>,
    %slice3A_395 = vector.extract_strided_slice %dot_general3A_10 {offsets = [0, 882], sizes = [1, 49], strides = [1, 1]} : vector<2x1568xf32> to vector<1x49xf32>
    %swap3A_396 = arith.constant 18 : index
    %swap3A_397 = arith.constant 0 : index
    %swap3A_398 = arith.constant 0 : index
    %swap3A_399 = vector.load %arg6[%swap3A_396, %swap3A_397, %swap3A_398] : memref<32x1x160xf32, #tpu.memory_space<vmem>>, vector<1x1x49xf32>
    %swap3A_400 = vector.shape_cast %swap3A_399 : vector<1x1x49xf32> to vector<1x49xf32>
    %swap3A_401 = vector.shape_cast %slice3A_395 : vector<1x49xf32> to vector<1x1x49xf32>
    tpu.vector_store %arg6[%swap3A_396, %swap3A_397, %swap3A_398], %swap3A_401 {strides = array<i32>} : memref<32x1x160xf32, #tpu.memory_space<vmem>>, vector<1x1x49xf32>,
    %slice3A_402 = vector.extract_strided_slice %dot_general3A_10 {offsets = [1, 882], sizes = [1, 49], strides = [1, 1]} : vector<2x1568xf32> to vector<1x49xf32>
    %swap3A_403 = arith.constant 18 : index
    %swap3A_404 = arith.constant 0 : index
    %swap3A_405 = arith.constant 56 : index
    %swap3A_406 = vector.load %arg6[%swap3A_403, %swap3A_404, %swap3A_405] : memref<32x1x160xf32, #tpu.memory_space<vmem>>, vector<1x1x49xf32>
    %swap3A_407 = vector.shape_cast %swap3A_406 : vector<1x1x49xf32> to vector<1x49xf32>
    %swap3A_408 = vector.shape_cast %slice3A_402 : vector<1x49xf32> to vector<1x1x49xf32>
    tpu.vector_store %arg6[%swap3A_403, %swap3A_404, %swap3A_405], %swap3A_408 {strides = array<i32>} : memref<32x1x160xf32, #tpu.memory_space<vmem>>, vector<1x1x49xf32>,
    %slice3A_409 = vector.extract_strided_slice %dot_general3A_18 {offsets = [0, 864], sizes = [1, 48], strides = [1, 1]} : vector<1x1536xf32> to vector<1x48xf32>
    %swap3A_410 = arith.constant 18 : index
    %swap3A_411 = arith.constant 0 : index
    %swap3A_412 = arith.constant 112 : index
    %swap3A_413 = vector.load %arg6[%swap3A_410, %swap3A_411, %swap3A_412] : memref<32x1x160xf32, #tpu.memory_space<vmem>>, vector<1x1x48xf32>
    %swap3A_414 = vector.shape_cast %swap3A_413 : vector<1x1x48xf32> to vector<1x48xf32>
    %swap3A_415 = vector.shape_cast %slice3A_409 : vector<1x48xf32> to vector<1x1x48xf32>
    tpu.vector_store %arg6[%swap3A_410, %swap3A_411, %swap3A_412], %swap3A_415 {strides = array<i32>} : memref<32x1x160xf32, #tpu.memory_space<vmem>>, vector<1x1x48xf32>,
    %slice3A_416 = vector.extract_strided_slice %dot_general3A_10 {offsets = [0, 931], sizes = [1, 49], strides = [1, 1]} : vector<2x1568xf32> to vector<1x49xf32>
    %swap3A_417 = arith.constant 19 : index
    %swap3A_418 = arith.constant 0 : index
    %swap3A_419 = arith.constant 0 : index
    %swap3A_420 = vector.load %arg6[%swap3A_417, %swap3A_418, %swap3A_419] : memref<32x1x160xf32, #tpu.memory_space<vmem>>, vector<1x1x49xf32>
    %swap3A_421 = vector.shape_cast %swap3A_420 : vector<1x1x49xf32> to vector<1x49xf32>
    %swap3A_422 = vector.shape_cast %slice3A_416 : vector<1x49xf32> to vector<1x1x49xf32>
    tpu.vector_store %arg6[%swap3A_417, %swap3A_418, %swap3A_419], %swap3A_422 {strides = array<i32>} : memref<32x1x160xf32, #tpu.memory_space<vmem>>, vector<1x1x49xf32>,
    %slice3A_423 = vector.extract_strided_slice %dot_general3A_10 {offsets = [1, 931], sizes = [1, 49], strides = [1, 1]} : vector<2x1568xf32> to vector<1x49xf32>
    %swap3A_424 = arith.constant 19 : index
    %swap3A_425 = arith.constant 0 : index
    %swap3A_426 = arith.constant 56 : index
    %swap3A_427 = vector.load %arg6[%swap3A_424, %swap3A_425, %swap3A_426] : memref<32x1x160xf32, #tpu.memory_space<vmem>>, vector<1x1x49xf32>
    %swap3A_428 = vector.shape_cast %swap3A_427 : vector<1x1x49xf32> to vector<1x49xf32>
    %swap3A_429 = vector.shape_cast %slice3A_423 : vector<1x49xf32> to vector<1x1x49xf32>
    tpu.vector_store %arg6[%swap3A_424, %swap3A_425, %swap3A_426], %swap3A_429 {strides = array<i32>} : memref<32x1x160xf32, #tpu.memory_space<vmem>>, vector<1x1x49xf32>,
    %slice3A_430 = vector.extract_strided_slice %dot_general3A_18 {offsets = [0, 912], sizes = [1, 48], strides = [1, 1]} : vector<1x1536xf32> to vector<1x48xf32>
    %swap3A_431 = arith.constant 19 : index
    %swap3A_432 = arith.constant 0 : index
    %swap3A_433 = arith.constant 112 : index
    %swap3A_434 = vector.load %arg6[%swap3A_431, %swap3A_432, %swap3A_433] : memref<32x1x160xf32, #tpu.memory_space<vmem>>, vector<1x1x48xf32>
    %swap3A_435 = vector.shape_cast %swap3A_434 : vector<1x1x48xf32> to vector<1x48xf32>
    %swap3A_436 = vector.shape_cast %slice3A_430 : vector<1x48xf32> to vector<1x1x48xf32>
    tpu.vector_store %arg6[%swap3A_431, %swap3A_432, %swap3A_433], %swap3A_436 {strides = array<i32>} : memref<32x1x160xf32, #tpu.memory_space<vmem>>, vector<1x1x48xf32>,
    %slice3A_437 = vector.extract_strided_slice %dot_general3A_10 {offsets = [0, 980], sizes = [1, 49], strides = [1, 1]} : vector<2x1568xf32> to vector<1x49xf32>
    %swap3A_438 = arith.constant 20 : index
    %swap3A_439 = arith.constant 0 : index
    %swap3A_440 = arith.constant 0 : index
    %swap3A_441 = vector.load %arg6[%swap3A_438, %swap3A_439, %swap3A_440] : memref<32x1x160xf32, #tpu.memory_space<vmem>>, vector<1x1x49xf32>
    %swap3A_442 = vector.shape_cast %swap3A_441 : vector<1x1x49xf32> to vector<1x49xf32>
    %swap3A_443 = vector.shape_cast %slice3A_437 : vector<1x49xf32> to vector<1x1x49xf32>
    tpu.vector_store %arg6[%swap3A_438, %swap3A_439, %swap3A_440], %swap3A_443 {strides = array<i32>} : memref<32x1x160xf32, #tpu.memory_space<vmem>>, vector<1x1x49xf32>,
    %slice3A_444 = vector.extract_strided_slice %dot_general3A_10 {offsets = [1, 980], sizes = [1, 49], strides = [1, 1]} : vector<2x1568xf32> to vector<1x49xf32>
    %swap3A_445 = arith.constant 20 : index
    %swap3A_446 = arith.constant 0 : index
    %swap3A_447 = arith.constant 56 : index
    %swap3A_448 = vector.load %arg6[%swap3A_445, %swap3A_446, %swap3A_447] : memref<32x1x160xf32, #tpu.memory_space<vmem>>, vector<1x1x49xf32>
    %swap3A_449 = vector.shape_cast %swap3A_448 : vector<1x1x49xf32> to vector<1x49xf32>
    %swap3A_450 = vector.shape_cast %slice3A_444 : vector<1x49xf32> to vector<1x1x49xf32>
    tpu.vector_store %arg6[%swap3A_445, %swap3A_446, %swap3A_447], %swap3A_450 {strides = array<i32>} : memref<32x1x160xf32, #tpu.memory_space<vmem>>, vector<1x1x49xf32>,
    %slice3A_451 = vector.extract_strided_slice %dot_general3A_18 {offsets = [0, 960], sizes = [1, 48], strides = [1, 1]} : vector<1x1536xf32> to vector<1x48xf32>
    %swap3A_452 = arith.constant 20 : index
    %swap3A_453 = arith.constant 0 : index
    %swap3A_454 = arith.constant 112 : index
    %swap3A_455 = vector.load %arg6[%swap3A_452, %swap3A_453, %swap3A_454] : memref<32x1x160xf32, #tpu.memory_space<vmem>>, vector<1x1x48xf32>
    %swap3A_456 = vector.shape_cast %swap3A_455 : vector<1x1x48xf32> to vector<1x48xf32>
    %swap3A_457 = vector.shape_cast %slice3A_451 : vector<1x48xf32> to vector<1x1x48xf32>
    tpu.vector_store %arg6[%swap3A_452, %swap3A_453, %swap3A_454], %swap3A_457 {strides = array<i32>} : memref<32x1x160xf32, #tpu.memory_space<vmem>>, vector<1x1x48xf32>,
    %slice3A_458 = vector.extract_strided_slice %dot_general3A_10 {offsets = [0, 1029], sizes = [1, 49], strides = [1, 1]} : vector<2x1568xf32> to vector<1x49xf32>
    %swap3A_459 = arith.constant 21 : index
    %swap3A_460 = arith.constant 0 : index
    %swap3A_461 = arith.constant 0 : index
    %swap3A_462 = vector.load %arg6[%swap3A_459, %swap3A_460, %swap3A_461] : memref<32x1x160xf32, #tpu.memory_space<vmem>>, vector<1x1x49xf32>
    %swap3A_463 = vector.shape_cast %swap3A_462 : vector<1x1x49xf32> to vector<1x49xf32>
    %swap3A_464 = vector.shape_cast %slice3A_458 : vector<1x49xf32> to vector<1x1x49xf32>
    tpu.vector_store %arg6[%swap3A_459, %swap3A_460, %swap3A_461], %swap3A_464 {strides = array<i32>} : memref<32x1x160xf32, #tpu.memory_space<vmem>>, vector<1x1x49xf32>,
    %slice3A_465 = vector.extract_strided_slice %dot_general3A_10 {offsets = [1, 1029], sizes = [1, 49], strides = [1, 1]} : vector<2x1568xf32> to vector<1x49xf32>
    %swap3A_466 = arith.constant 21 : index
    %swap3A_467 = arith.constant 0 : index
    %swap3A_468 = arith.constant 56 : index
    %swap3A_469 = vector.load %arg6[%swap3A_466, %swap3A_467, %swap3A_468] : memref<32x1x160xf32, #tpu.memory_space<vmem>>, vector<1x1x49xf32>
    %swap3A_470 = vector.shape_cast %swap3A_469 : vector<1x1x49xf32> to vector<1x49xf32>
    %swap3A_471 = vector.shape_cast %slice3A_465 : vector<1x49xf32> to vector<1x1x49xf32>
    tpu.vector_store %arg6[%swap3A_466, %swap3A_467, %swap3A_468], %swap3A_471 {strides = array<i32>} : memref<32x1x160xf32, #tpu.memory_space<vmem>>, vector<1x1x49xf32>,
    %slice3A_472 = vector.extract_strided_slice %dot_general3A_18 {offsets = [0, 1008], sizes = [1, 48], strides = [1, 1]} : vector<1x1536xf32> to vector<1x48xf32>
    %swap3A_473 = arith.constant 21 : index
    %swap3A_474 = arith.constant 0 : index
    %swap3A_475 = arith.constant 112 : index
    %swap3A_476 = vector.load %arg6[%swap3A_473, %swap3A_474, %swap3A_475] : memref<32x1x160xf32, #tpu.memory_space<vmem>>, vector<1x1x48xf32>
    %swap3A_477 = vector.shape_cast %swap3A_476 : vector<1x1x48xf32> to vector<1x48xf32>
    %swap3A_478 = vector.shape_cast %slice3A_472 : vector<1x48xf32> to vector<1x1x48xf32>
    tpu.vector_store %arg6[%swap3A_473, %swap3A_474, %swap3A_475], %swap3A_478 {strides = array<i32>} : memref<32x1x160xf32, #tpu.memory_space<vmem>>, vector<1x1x48xf32>,
    %slice3A_479 = vector.extract_strided_slice %dot_general3A_10 {offsets = [0, 1078], sizes = [1, 49], strides = [1, 1]} : vector<2x1568xf32> to vector<1x49xf32>
    %swap3A_480 = arith.constant 22 : index
    %swap3A_481 = arith.constant 0 : index
    %swap3A_482 = arith.constant 0 : index
    %swap3A_483 = vector.load %arg6[%swap3A_480, %swap3A_481, %swap3A_482] : memref<32x1x160xf32, #tpu.memory_space<vmem>>, vector<1x1x49xf32>
    %swap3A_484 = vector.shape_cast %swap3A_483 : vector<1x1x49xf32> to vector<1x49xf32>
    %swap3A_485 = vector.shape_cast %slice3A_479 : vector<1x49xf32> to vector<1x1x49xf32>
    tpu.vector_store %arg6[%swap3A_480, %swap3A_481, %swap3A_482], %swap3A_485 {strides = array<i32>} : memref<32x1x160xf32, #tpu.memory_space<vmem>>, vector<1x1x49xf32>,
    %slice3A_486 = vector.extract_strided_slice %dot_general3A_10 {offsets = [1, 1078], sizes = [1, 49], strides = [1, 1]} : vector<2x1568xf32> to vector<1x49xf32>
    %swap3A_487 = arith.constant 22 : index
    %swap3A_488 = arith.constant 0 : index
    %swap3A_489 = arith.constant 56 : index
    %swap3A_490 = vector.load %arg6[%swap3A_487, %swap3A_488, %swap3A_489] : memref<32x1x160xf32, #tpu.memory_space<vmem>>, vector<1x1x49xf32>
    %swap3A_491 = vector.shape_cast %swap3A_490 : vector<1x1x49xf32> to vector<1x49xf32>
    %swap3A_492 = vector.shape_cast %slice3A_486 : vector<1x49xf32> to vector<1x1x49xf32>
    tpu.vector_store %arg6[%swap3A_487, %swap3A_488, %swap3A_489], %swap3A_492 {strides = array<i32>} : memref<32x1x160xf32, #tpu.memory_space<vmem>>, vector<1x1x49xf32>,
    %slice3A_493 = vector.extract_strided_slice %dot_general3A_18 {offsets = [0, 1056], sizes = [1, 48], strides = [1, 1]} : vector<1x1536xf32> to vector<1x48xf32>
    %swap3A_494 = arith.constant 22 : index
    %swap3A_495 = arith.constant 0 : index
    %swap3A_496 = arith.constant 112 : index
    %swap3A_497 = vector.load %arg6[%swap3A_494, %swap3A_495, %swap3A_496] : memref<32x1x160xf32, #tpu.memory_space<vmem>>, vector<1x1x48xf32>
    %swap3A_498 = vector.shape_cast %swap3A_497 : vector<1x1x48xf32> to vector<1x48xf32>
    %swap3A_499 = vector.shape_cast %slice3A_493 : vector<1x48xf32> to vector<1x1x48xf32>
    tpu.vector_store %arg6[%swap3A_494, %swap3A_495, %swap3A_496], %swap3A_499 {strides = array<i32>} : memref<32x1x160xf32, #tpu.memory_space<vmem>>, vector<1x1x48xf32>,
    %slice3A_500 = vector.extract_strided_slice %dot_general3A_10 {offsets = [0, 1127], sizes = [1, 49], strides = [1, 1]} : vector<2x1568xf32> to vector<1x49xf32>
    %swap3A_501 = arith.constant 23 : index
    %swap3A_502 = arith.constant 0 : index
    %swap3A_503 = arith.constant 0 : index
    %swap3A_504 = vector.load %arg6[%swap3A_501, %swap3A_502, %swap3A_503] : memref<32x1x160xf32, #tpu.memory_space<vmem>>, vector<1x1x49xf32>
    %swap3A_505 = vector.shape_cast %swap3A_504 : vector<1x1x49xf32> to vector<1x49xf32>
    %swap3A_506 = vector.shape_cast %slice3A_500 : vector<1x49xf32> to vector<1x1x49xf32>
    tpu.vector_store %arg6[%swap3A_501, %swap3A_502, %swap3A_503], %swap3A_506 {strides = array<i32>} : memref<32x1x160xf32, #tpu.memory_space<vmem>>, vector<1x1x49xf32>,
    %slice3A_507 = vector.extract_strided_slice %dot_general3A_10 {offsets = [1, 1127], sizes = [1, 49], strides = [1, 1]} : vector<2x1568xf32> to vector<1x49xf32>
    %swap3A_508 = arith.constant 23 : index
    %swap3A_509 = arith.constant 0 : index
    %swap3A_510 = arith.constant 56 : index
    %swap3A_511 = vector.load %arg6[%swap3A_508, %swap3A_509, %swap3A_510] : memref<32x1x160xf32, #tpu.memory_space<vmem>>, vector<1x1x49xf32>
    %swap3A_512 = vector.shape_cast %swap3A_511 : vector<1x1x49xf32> to vector<1x49xf32>
    %swap3A_513 = vector.shape_cast %slice3A_507 : vector<1x49xf32> to vector<1x1x49xf32>
    tpu.vector_store %arg6[%swap3A_508, %swap3A_509, %swap3A_510], %swap3A_513 {strides = array<i32>} : memref<32x1x160xf32, #tpu.memory_space<vmem>>, vector<1x1x49xf32>,
    %slice3A_514 = vector.extract_strided_slice %dot_general3A_18 {offsets = [0, 1104], sizes = [1, 48], strides = [1, 1]} : vector<1x1536xf32> to vector<1x48xf32>
    %swap3A_515 = arith.constant 23 : index
    %swap3A_516 = arith.constant 0 : index
    %swap3A_517 = arith.constant 112 : index
    %swap3A_518 = vector.load %arg6[%swap3A_515, %swap3A_516, %swap3A_517] : memref<32x1x160xf32, #tpu.memory_space<vmem>>, vector<1x1x48xf32>
    %swap3A_519 = vector.shape_cast %swap3A_518 : vector<1x1x48xf32> to vector<1x48xf32>
    %swap3A_520 = vector.shape_cast %slice3A_514 : vector<1x48xf32> to vector<1x1x48xf32>
    tpu.vector_store %arg6[%swap3A_515, %swap3A_516, %swap3A_517], %swap3A_520 {strides = array<i32>} : memref<32x1x160xf32, #tpu.memory_space<vmem>>, vector<1x1x48xf32>,
    %slice3A_521 = vector.extract_strided_slice %dot_general3A_10 {offsets = [0, 1176], sizes = [1, 49], strides = [1, 1]} : vector<2x1568xf32> to vector<1x49xf32>
    %swap3A_522 = arith.constant 24 : index
    %swap3A_523 = arith.constant 0 : index
    %swap3A_524 = arith.constant 0 : index
    %swap3A_525 = vector.load %arg6[%swap3A_522, %swap3A_523, %swap3A_524] : memref<32x1x160xf32, #tpu.memory_space<vmem>>, vector<1x1x49xf32>
    %swap3A_526 = vector.shape_cast %swap3A_525 : vector<1x1x49xf32> to vector<1x49xf32>
    %swap3A_527 = vector.shape_cast %slice3A_521 : vector<1x49xf32> to vector<1x1x49xf32>
    tpu.vector_store %arg6[%swap3A_522, %swap3A_523, %swap3A_524], %swap3A_527 {strides = array<i32>} : memref<32x1x160xf32, #tpu.memory_space<vmem>>, vector<1x1x49xf32>,
    %slice3A_528 = vector.extract_strided_slice %dot_general3A_10 {offsets = [1, 1176], sizes = [1, 49], strides = [1, 1]} : vector<2x1568xf32> to vector<1x49xf32>
    %swap3A_529 = arith.constant 24 : index
    %swap3A_530 = arith.constant 0 : index
    %swap3A_531 = arith.constant 56 : index
    %swap3A_532 = vector.load %arg6[%swap3A_529, %swap3A_530, %swap3A_531] : memref<32x1x160xf32, #tpu.memory_space<vmem>>, vector<1x1x49xf32>
    %swap3A_533 = vector.shape_cast %swap3A_532 : vector<1x1x49xf32> to vector<1x49xf32>
    %swap3A_534 = vector.shape_cast %slice3A_528 : vector<1x49xf32> to vector<1x1x49xf32>
    tpu.vector_store %arg6[%swap3A_529, %swap3A_530, %swap3A_531], %swap3A_534 {strides = array<i32>} : memref<32x1x160xf32, #tpu.memory_space<vmem>>, vector<1x1x49xf32>,
    %slice3A_535 = vector.extract_strided_slice %dot_general3A_18 {offsets = [0, 1152], sizes = [1, 48], strides = [1, 1]} : vector<1x1536xf32> to vector<1x48xf32>
    %swap3A_536 = arith.constant 24 : index
    %swap3A_537 = arith.constant 0 : index
    %swap3A_538 = arith.constant 112 : index
    %swap3A_539 = vector.load %arg6[%swap3A_536, %swap3A_537, %swap3A_538] : memref<32x1x160xf32, #tpu.memory_space<vmem>>, vector<1x1x48xf32>
    %swap3A_540 = vector.shape_cast %swap3A_539 : vector<1x1x48xf32> to vector<1x48xf32>
    %swap3A_541 = vector.shape_cast %slice3A_535 : vector<1x48xf32> to vector<1x1x48xf32>
    tpu.vector_store %arg6[%swap3A_536, %swap3A_537, %swap3A_538], %swap3A_541 {strides = array<i32>} : memref<32x1x160xf32, #tpu.memory_space<vmem>>, vector<1x1x48xf32>,
    %slice3A_542 = vector.extract_strided_slice %dot_general3A_10 {offsets = [0, 1225], sizes = [1, 49], strides = [1, 1]} : vector<2x1568xf32> to vector<1x49xf32>
    %swap3A_543 = arith.constant 25 : index
    %swap3A_544 = arith.constant 0 : index
    %swap3A_545 = arith.constant 0 : index
    %swap3A_546 = vector.load %arg6[%swap3A_543, %swap3A_544, %swap3A_545] : memref<32x1x160xf32, #tpu.memory_space<vmem>>, vector<1x1x49xf32>
    %swap3A_547 = vector.shape_cast %swap3A_546 : vector<1x1x49xf32> to vector<1x49xf32>
    %swap3A_548 = vector.shape_cast %slice3A_542 : vector<1x49xf32> to vector<1x1x49xf32>
    tpu.vector_store %arg6[%swap3A_543, %swap3A_544, %swap3A_545], %swap3A_548 {strides = array<i32>} : memref<32x1x160xf32, #tpu.memory_space<vmem>>, vector<1x1x49xf32>,
    %slice3A_549 = vector.extract_strided_slice %dot_general3A_10 {offsets = [1, 1225], sizes = [1, 49], strides = [1, 1]} : vector<2x1568xf32> to vector<1x49xf32>
    %swap3A_550 = arith.constant 25 : index
    %swap3A_551 = arith.constant 0 : index
    %swap3A_552 = arith.constant 56 : index
    %swap3A_553 = vector.load %arg6[%swap3A_550, %swap3A_551, %swap3A_552] : memref<32x1x160xf32, #tpu.memory_space<vmem>>, vector<1x1x49xf32>
    %swap3A_554 = vector.shape_cast %swap3A_553 : vector<1x1x49xf32> to vector<1x49xf32>
    %swap3A_555 = vector.shape_cast %slice3A_549 : vector<1x49xf32> to vector<1x1x49xf32>
    tpu.vector_store %arg6[%swap3A_550, %swap3A_551, %swap3A_552], %swap3A_555 {strides = array<i32>} : memref<32x1x160xf32, #tpu.memory_space<vmem>>, vector<1x1x49xf32>,
    %slice3A_556 = vector.extract_strided_slice %dot_general3A_18 {offsets = [0, 1200], sizes = [1, 48], strides = [1, 1]} : vector<1x1536xf32> to vector<1x48xf32>
    %swap3A_557 = arith.constant 25 : index
    %swap3A_558 = arith.constant 0 : index
    %swap3A_559 = arith.constant 112 : index
    %swap3A_560 = vector.load %arg6[%swap3A_557, %swap3A_558, %swap3A_559] : memref<32x1x160xf32, #tpu.memory_space<vmem>>, vector<1x1x48xf32>
    %swap3A_561 = vector.shape_cast %swap3A_560 : vector<1x1x48xf32> to vector<1x48xf32>
    %swap3A_562 = vector.shape_cast %slice3A_556 : vector<1x48xf32> to vector<1x1x48xf32>
    tpu.vector_store %arg6[%swap3A_557, %swap3A_558, %swap3A_559], %swap3A_562 {strides = array<i32>} : memref<32x1x160xf32, #tpu.memory_space<vmem>>, vector<1x1x48xf32>,
    %slice3A_563 = vector.extract_strided_slice %dot_general3A_10 {offsets = [0, 1274], sizes = [1, 49], strides = [1, 1]} : vector<2x1568xf32> to vector<1x49xf32>
    %swap3A_564 = arith.constant 26 : index
    %swap3A_565 = arith.constant 0 : index
    %swap3A_566 = arith.constant 0 : index
    %swap3A_567 = vector.load %arg6[%swap3A_564, %swap3A_565, %swap3A_566] : memref<32x1x160xf32, #tpu.memory_space<vmem>>, vector<1x1x49xf32>
    %swap3A_568 = vector.shape_cast %swap3A_567 : vector<1x1x49xf32> to vector<1x49xf32>
    %swap3A_569 = vector.shape_cast %slice3A_563 : vector<1x49xf32> to vector<1x1x49xf32>
    tpu.vector_store %arg6[%swap3A_564, %swap3A_565, %swap3A_566], %swap3A_569 {strides = array<i32>} : memref<32x1x160xf32, #tpu.memory_space<vmem>>, vector<1x1x49xf32>,
    %slice3A_570 = vector.extract_strided_slice %dot_general3A_10 {offsets = [1, 1274], sizes = [1, 49], strides = [1, 1]} : vector<2x1568xf32> to vector<1x49xf32>
    %swap3A_571 = arith.constant 26 : index
    %swap3A_572 = arith.constant 0 : index
    %swap3A_573 = arith.constant 56 : index
    %swap3A_574 = vector.load %arg6[%swap3A_571, %swap3A_572, %swap3A_573] : memref<32x1x160xf32, #tpu.memory_space<vmem>>, vector<1x1x49xf32>
    %swap3A_575 = vector.shape_cast %swap3A_574 : vector<1x1x49xf32> to vector<1x49xf32>
    %swap3A_576 = vector.shape_cast %slice3A_570 : vector<1x49xf32> to vector<1x1x49xf32>
    tpu.vector_store %arg6[%swap3A_571, %swap3A_572, %swap3A_573], %swap3A_576 {strides = array<i32>} : memref<32x1x160xf32, #tpu.memory_space<vmem>>, vector<1x1x49xf32>,
    %slice3A_577 = vector.extract_strided_slice %dot_general3A_18 {offsets = [0, 1248], sizes = [1, 48], strides = [1, 1]} : vector<1x1536xf32> to vector<1x48xf32>
    %swap3A_578 = arith.constant 26 : index
    %swap3A_579 = arith.constant 0 : index
    %swap3A_580 = arith.constant 112 : index
    %swap3A_581 = vector.load %arg6[%swap3A_578, %swap3A_579, %swap3A_580] : memref<32x1x160xf32, #tpu.memory_space<vmem>>, vector<1x1x48xf32>
    %swap3A_582 = vector.shape_cast %swap3A_581 : vector<1x1x48xf32> to vector<1x48xf32>
    %swap3A_583 = vector.shape_cast %slice3A_577 : vector<1x48xf32> to vector<1x1x48xf32>
    tpu.vector_store %arg6[%swap3A_578, %swap3A_579, %swap3A_580], %swap3A_583 {strides = array<i32>} : memref<32x1x160xf32, #tpu.memory_space<vmem>>, vector<1x1x48xf32>,
    %slice3A_584 = vector.extract_strided_slice %dot_general3A_10 {offsets = [0, 1323], sizes = [1, 49], strides = [1, 1]} : vector<2x1568xf32> to vector<1x49xf32>
    %swap3A_585 = arith.constant 27 : index
    %swap3A_586 = arith.constant 0 : index
    %swap3A_587 = arith.constant 0 : index
    %swap3A_588 = vector.load %arg6[%swap3A_585, %swap3A_586, %swap3A_587] : memref<32x1x160xf32, #tpu.memory_space<vmem>>, vector<1x1x49xf32>
    %swap3A_589 = vector.shape_cast %swap3A_588 : vector<1x1x49xf32> to vector<1x49xf32>
    %swap3A_590 = vector.shape_cast %slice3A_584 : vector<1x49xf32> to vector<1x1x49xf32>
    tpu.vector_store %arg6[%swap3A_585, %swap3A_586, %swap3A_587], %swap3A_590 {strides = array<i32>} : memref<32x1x160xf32, #tpu.memory_space<vmem>>, vector<1x1x49xf32>,
    %slice3A_591 = vector.extract_strided_slice %dot_general3A_10 {offsets = [1, 1323], sizes = [1, 49], strides = [1, 1]} : vector<2x1568xf32> to vector<1x49xf32>
    %swap3A_592 = arith.constant 27 : index
    %swap3A_593 = arith.constant 0 : index
    %swap3A_594 = arith.constant 56 : index
    %swap3A_595 = vector.load %arg6[%swap3A_592, %swap3A_593, %swap3A_594] : memref<32x1x160xf32, #tpu.memory_space<vmem>>, vector<1x1x49xf32>
    %swap3A_596 = vector.shape_cast %swap3A_595 : vector<1x1x49xf32> to vector<1x49xf32>
    %swap3A_597 = vector.shape_cast %slice3A_591 : vector<1x49xf32> to vector<1x1x49xf32>
    tpu.vector_store %arg6[%swap3A_592, %swap3A_593, %swap3A_594], %swap3A_597 {strides = array<i32>} : memref<32x1x160xf32, #tpu.memory_space<vmem>>, vector<1x1x49xf32>,
    %slice3A_598 = vector.extract_strided_slice %dot_general3A_18 {offsets = [0, 1296], sizes = [1, 48], strides = [1, 1]} : vector<1x1536xf32> to vector<1x48xf32>
    %swap3A_599 = arith.constant 27 : index
    %swap3A_600 = arith.constant 0 : index
    %swap3A_601 = arith.constant 112 : index
    %swap3A_602 = vector.load %arg6[%swap3A_599, %swap3A_600, %swap3A_601] : memref<32x1x160xf32, #tpu.memory_space<vmem>>, vector<1x1x48xf32>
    %swap3A_603 = vector.shape_cast %swap3A_602 : vector<1x1x48xf32> to vector<1x48xf32>
    %swap3A_604 = vector.shape_cast %slice3A_598 : vector<1x48xf32> to vector<1x1x48xf32>
    tpu.vector_store %arg6[%swap3A_599, %swap3A_600, %swap3A_601], %swap3A_604 {strides = array<i32>} : memref<32x1x160xf32, #tpu.memory_space<vmem>>, vector<1x1x48xf32>,
    %slice3A_605 = vector.extract_strided_slice %dot_general3A_10 {offsets = [0, 1372], sizes = [1, 49], strides = [1, 1]} : vector<2x1568xf32> to vector<1x49xf32>
    %swap3A_606 = arith.constant 28 : index
    %swap3A_607 = arith.constant 0 : index
    %swap3A_608 = arith.constant 0 : index
    %swap3A_609 = vector.load %arg6[%swap3A_606, %swap3A_607, %swap3A_608] : memref<32x1x160xf32, #tpu.memory_space<vmem>>, vector<1x1x49xf32>
    %swap3A_610 = vector.shape_cast %swap3A_609 : vector<1x1x49xf32> to vector<1x49xf32>
    %swap3A_611 = vector.shape_cast %slice3A_605 : vector<1x49xf32> to vector<1x1x49xf32>
    tpu.vector_store %arg6[%swap3A_606, %swap3A_607, %swap3A_608], %swap3A_611 {strides = array<i32>} : memref<32x1x160xf32, #tpu.memory_space<vmem>>, vector<1x1x49xf32>,
    %slice3A_612 = vector.extract_strided_slice %dot_general3A_10 {offsets = [1, 1372], sizes = [1, 49], strides = [1, 1]} : vector<2x1568xf32> to vector<1x49xf32>
    %swap3A_613 = arith.constant 28 : index
    %swap3A_614 = arith.constant 0 : index
    %swap3A_615 = arith.constant 56 : index
    %swap3A_616 = vector.load %arg6[%swap3A_613, %swap3A_614, %swap3A_615] : memref<32x1x160xf32, #tpu.memory_space<vmem>>, vector<1x1x49xf32>
    %swap3A_617 = vector.shape_cast %swap3A_616 : vector<1x1x49xf32> to vector<1x49xf32>
    %swap3A_618 = vector.shape_cast %slice3A_612 : vector<1x49xf32> to vector<1x1x49xf32>
    tpu.vector_store %arg6[%swap3A_613, %swap3A_614, %swap3A_615], %swap3A_618 {strides = array<i32>} : memref<32x1x160xf32, #tpu.memory_space<vmem>>, vector<1x1x49xf32>,
    %slice3A_619 = vector.extract_strided_slice %dot_general3A_18 {offsets = [0, 1344], sizes = [1, 48], strides = [1, 1]} : vector<1x1536xf32> to vector<1x48xf32>
    %swap3A_620 = arith.constant 28 : index
    %swap3A_621 = arith.constant 0 : index
    %swap3A_622 = arith.constant 112 : index
    %swap3A_623 = vector.load %arg6[%swap3A_620, %swap3A_621, %swap3A_622] : memref<32x1x160xf32, #tpu.memory_space<vmem>>, vector<1x1x48xf32>
    %swap3A_624 = vector.shape_cast %swap3A_623 : vector<1x1x48xf32> to vector<1x48xf32>
    %swap3A_625 = vector.shape_cast %slice3A_619 : vector<1x48xf32> to vector<1x1x48xf32>
    tpu.vector_store %arg6[%swap3A_620, %swap3A_621, %swap3A_622], %swap3A_625 {strides = array<i32>} : memref<32x1x160xf32, #tpu.memory_space<vmem>>, vector<1x1x48xf32>,
    %slice3A_626 = vector.extract_strided_slice %dot_general3A_10 {offsets = [0, 1421], sizes = [1, 49], strides = [1, 1]} : vector<2x1568xf32> to vector<1x49xf32>
    %swap3A_627 = arith.constant 29 : index
    %swap3A_628 = arith.constant 0 : index
    %swap3A_629 = arith.constant 0 : index
    %swap3A_630 = vector.load %arg6[%swap3A_627, %swap3A_628, %swap3A_629] : memref<32x1x160xf32, #tpu.memory_space<vmem>>, vector<1x1x49xf32>
    %swap3A_631 = vector.shape_cast %swap3A_630 : vector<1x1x49xf32> to vector<1x49xf32>
    %swap3A_632 = vector.shape_cast %slice3A_626 : vector<1x49xf32> to vector<1x1x49xf32>
    tpu.vector_store %arg6[%swap3A_627, %swap3A_628, %swap3A_629], %swap3A_632 {strides = array<i32>} : memref<32x1x160xf32, #tpu.memory_space<vmem>>, vector<1x1x49xf32>,
    %slice3A_633 = vector.extract_strided_slice %dot_general3A_10 {offsets = [1, 1421], sizes = [1, 49], strides = [1, 1]} : vector<2x1568xf32> to vector<1x49xf32>
    %swap3A_634 = arith.constant 29 : index
    %swap3A_635 = arith.constant 0 : index
    %swap3A_636 = arith.constant 56 : index
    %swap3A_637 = vector.load %arg6[%swap3A_634, %swap3A_635, %swap3A_636] : memref<32x1x160xf32, #tpu.memory_space<vmem>>, vector<1x1x49xf32>
    %swap3A_638 = vector.shape_cast %swap3A_637 : vector<1x1x49xf32> to vector<1x49xf32>
    %swap3A_639 = vector.shape_cast %slice3A_633 : vector<1x49xf32> to vector<1x1x49xf32>
    tpu.vector_store %arg6[%swap3A_634, %swap3A_635, %swap3A_636], %swap3A_639 {strides = array<i32>} : memref<32x1x160xf32, #tpu.memory_space<vmem>>, vector<1x1x49xf32>,
    %slice3A_640 = vector.extract_strided_slice %dot_general3A_18 {offsets = [0, 1392], sizes = [1, 48], strides = [1, 1]} : vector<1x1536xf32> to vector<1x48xf32>
    %swap3A_641 = arith.constant 29 : index
    %swap3A_642 = arith.constant 0 : index
    %swap3A_643 = arith.constant 112 : index
    %swap3A_644 = vector.load %arg6[%swap3A_641, %swap3A_642, %swap3A_643] : memref<32x1x160xf32, #tpu.memory_space<vmem>>, vector<1x1x48xf32>
    %swap3A_645 = vector.shape_cast %swap3A_644 : vector<1x1x48xf32> to vector<1x48xf32>
    %swap3A_646 = vector.shape_cast %slice3A_640 : vector<1x48xf32> to vector<1x1x48xf32>
    tpu.vector_store %arg6[%swap3A_641, %swap3A_642, %swap3A_643], %swap3A_646 {strides = array<i32>} : memref<32x1x160xf32, #tpu.memory_space<vmem>>, vector<1x1x48xf32>,
    %slice3A_647 = vector.extract_strided_slice %dot_general3A_10 {offsets = [0, 1470], sizes = [1, 49], strides = [1, 1]} : vector<2x1568xf32> to vector<1x49xf32>
    %swap3A_648 = arith.constant 30 : index
    %swap3A_649 = arith.constant 0 : index
    %swap3A_650 = arith.constant 0 : index
    %swap3A_651 = vector.load %arg6[%swap3A_648, %swap3A_649, %swap3A_650] : memref<32x1x160xf32, #tpu.memory_space<vmem>>, vector<1x1x49xf32>
    %swap3A_652 = vector.shape_cast %swap3A_651 : vector<1x1x49xf32> to vector<1x49xf32>
    %swap3A_653 = vector.shape_cast %slice3A_647 : vector<1x49xf32> to vector<1x1x49xf32>
    tpu.vector_store %arg6[%swap3A_648, %swap3A_649, %swap3A_650], %swap3A_653 {strides = array<i32>} : memref<32x1x160xf32, #tpu.memory_space<vmem>>, vector<1x1x49xf32>,
    %slice3A_654 = vector.extract_strided_slice %dot_general3A_10 {offsets = [1, 1470], sizes = [1, 49], strides = [1, 1]} : vector<2x1568xf32> to vector<1x49xf32>
    %swap3A_655 = arith.constant 30 : index
    %swap3A_656 = arith.constant 0 : index
    %swap3A_657 = arith.constant 56 : index
    %swap3A_658 = vector.load %arg6[%swap3A_655, %swap3A_656, %swap3A_657] : memref<32x1x160xf32, #tpu.memory_space<vmem>>, vector<1x1x49xf32>
    %swap3A_659 = vector.shape_cast %swap3A_658 : vector<1x1x49xf32> to vector<1x49xf32>
    %swap3A_660 = vector.shape_cast %slice3A_654 : vector<1x49xf32> to vector<1x1x49xf32>
    tpu.vector_store %arg6[%swap3A_655, %swap3A_656, %swap3A_657], %swap3A_660 {strides = array<i32>} : memref<32x1x160xf32, #tpu.memory_space<vmem>>, vector<1x1x49xf32>,
    %slice3A_661 = vector.extract_strided_slice %dot_general3A_18 {offsets = [0, 1440], sizes = [1, 48], strides = [1, 1]} : vector<1x1536xf32> to vector<1x48xf32>
    %swap3A_662 = arith.constant 30 : index
    %swap3A_663 = arith.constant 0 : index
    %swap3A_664 = arith.constant 112 : index
    %swap3A_665 = vector.load %arg6[%swap3A_662, %swap3A_663, %swap3A_664] : memref<32x1x160xf32, #tpu.memory_space<vmem>>, vector<1x1x48xf32>
    %swap3A_666 = vector.shape_cast %swap3A_665 : vector<1x1x48xf32> to vector<1x48xf32>
    %swap3A_667 = vector.shape_cast %slice3A_661 : vector<1x48xf32> to vector<1x1x48xf32>
    tpu.vector_store %arg6[%swap3A_662, %swap3A_663, %swap3A_664], %swap3A_667 {strides = array<i32>} : memref<32x1x160xf32, #tpu.memory_space<vmem>>, vector<1x1x48xf32>,
    %slice3A_668 = vector.extract_strided_slice %dot_general3A_10 {offsets = [0, 1519], sizes = [1, 49], strides = [1, 1]} : vector<2x1568xf32> to vector<1x49xf32>
    %swap3A_669 = arith.constant 31 : index
    %swap3A_670 = arith.constant 0 : index
    %swap3A_671 = arith.constant 0 : index
    %swap3A_672 = vector.load %arg6[%swap3A_669, %swap3A_670, %swap3A_671] : memref<32x1x160xf32, #tpu.memory_space<vmem>>, vector<1x1x49xf32>
    %swap3A_673 = vector.shape_cast %swap3A_672 : vector<1x1x49xf32> to vector<1x49xf32>
    %swap3A_674 = vector.shape_cast %slice3A_668 : vector<1x49xf32> to vector<1x1x49xf32>
    tpu.vector_store %arg6[%swap3A_669, %swap3A_670, %swap3A_671], %swap3A_674 {strides = array<i32>} : memref<32x1x160xf32, #tpu.memory_space<vmem>>, vector<1x1x49xf32>,
    %slice3A_675 = vector.extract_strided_slice %dot_general3A_10 {offsets = [1, 1519], sizes = [1, 49], strides = [1, 1]} : vector<2x1568xf32> to vector<1x49xf32>
    %swap3A_676 = arith.constant 31 : index
    %swap3A_677 = arith.constant 0 : index
    %swap3A_678 = arith.constant 56 : index
    %swap3A_679 = vector.load %arg6[%swap3A_676, %swap3A_677, %swap3A_678] : memref<32x1x160xf32, #tpu.memory_space<vmem>>, vector<1x1x49xf32>
    %swap3A_680 = vector.shape_cast %swap3A_679 : vector<1x1x49xf32> to vector<1x49xf32>
    %swap3A_681 = vector.shape_cast %slice3A_675 : vector<1x49xf32> to vector<1x1x49xf32>
    tpu.vector_store %arg6[%swap3A_676, %swap3A_677, %swap3A_678], %swap3A_681 {strides = array<i32>} : memref<32x1x160xf32, #tpu.memory_space<vmem>>, vector<1x1x49xf32>,
    %slice3A_682 = vector.extract_strided_slice %dot_general3A_18 {offsets = [0, 1488], sizes = [1, 48], strides = [1, 1]} : vector<1x1536xf32> to vector<1x48xf32>
    %swap3A_683 = arith.constant 31 : index
    %swap3A_684 = arith.constant 0 : index
    %swap3A_685 = arith.constant 112 : index
    %swap3A_686 = vector.load %arg6[%swap3A_683, %swap3A_684, %swap3A_685] : memref<32x1x160xf32, #tpu.memory_space<vmem>>, vector<1x1x48xf32>
    %swap3A_687 = vector.shape_cast %swap3A_686 : vector<1x1x48xf32> to vector<1x48xf32>
    %swap3A_688 = vector.shape_cast %slice3A_682 : vector<1x48xf32> to vector<1x1x48xf32>
    tpu.vector_store %arg6[%swap3A_683, %swap3A_684, %swap3A_685], %swap3A_688 {strides = array<i32>} : memref<32x1x160xf32, #tpu.memory_space<vmem>>, vector<1x1x48xf32>,
    return
  }
  func.func @transform_0(%arg0: i32) -> (i32, i32) {
    %c0_i32 = arith.constant 0 : i32
    %c0_i32_0 = arith.constant 0 : i32
    return %arg0, %c0_i32 : i32, i32
  }
  func.func @transform_1(%arg0: i32) -> (i32, i32) {
    %c0_i32 = arith.constant 0 : i32
    %c0_i32_0 = arith.constant 0 : i32
    return %arg0, %c0_i32 : i32, i32
  }
  func.func @transform_2(%arg0: i32) -> (i32, i32) {
    %c0_i32 = arith.constant 0 : i32
    %c0_i32_0 = arith.constant 0 : i32
    %c0_i32_1 = arith.constant 0 : i32
    return %c0_i32, %c0_i32_0 : i32, i32
  }
  func.func @transform_3(%arg0: i32) -> (i32, i32) {
    %c0_i32 = arith.constant 0 : i32
    %c0_i32_0 = arith.constant 0 : i32
    %c0_i32_1 = arith.constant 0 : i32
    return %c0_i32, %c0_i32_0 : i32, i32
  }
  func.func @transform_4(%arg0: i32) -> (i32, i32) {
    %c0_i32 = arith.constant 0 : i32
    %c0_i32_0 = arith.constant 0 : i32
    %c0_i32_1 = arith.constant 0 : i32
    return %c0_i32, %c0_i32_0 : i32, i32
  }
  func.func @transform_5(%arg0: i32) -> (i32, i32, i32) {
    %c0_i32 = arith.constant 0 : i32
    %c0_i32_0 = arith.constant 0 : i32
    %c0_i32_1 = arith.constant 0 : i32
    return %arg0, %c0_i32, %c0_i32_0 : i32, i32, i32
  }
}

module attributes {stable_mosaic.version = 14 : i64} {
  func.func @_stage_a2_body(%arg0: i32, %arg1: memref<784x128xf32, #tpu.memory_space<vmem>>, %arg2: memref<128x128xf32, #tpu.memory_space<vmem>>, %arg3: memref<784x128xf32, #tpu.memory_space<vmem>>) attributes {dimension_semantics = [#tpu.dimension_semantics<arbitrary>], iteration_bounds = array<i64: 6>, scalar_prefetch = 0 : i64, scratch_operands = 0 : i64, tpu.core_type = #tpu.core_type<tc>, window_params = [{transform_indices = @transform_0, window_bounds = array<i64: 784, 128>}, {pipeline_mode = #tpu.pipeline_mode<synchronous>, transform_indices = @transform_1, window_bounds = array<i64: 128, 128>}, {transform_indices = @transform_2, window_bounds = array<i64: 784, 128>}]} {
    %get3A = arith.constant 0 : index
    %get3A_0 = arith.constant 0 : index
    %get3A_1 = vector.load %arg1[%get3A, %get3A_0] : memref<784x128xf32, #tpu.memory_space<vmem>>, vector<784x128xf32>
    %get3A_2 = arith.constant 0 : index
    %get3A_3 = arith.constant 0 : index
    %get3A_4 = vector.load %arg2[%get3A_2, %get3A_3] : memref<128x128xf32, #tpu.memory_space<vmem>>, vector<128x128xf32>
    %dot_general3A = arith.constant dense<0.000000e+00> : vector<784x128xf32>
    %dot_general3A_5 = tpu.matmul %get3A_1, %get3A_4, %dot_general3A {dimension_numbers = #tpu.dot_dimension_numbers<[1], [0], [0], [1], [0, 0, 1, 1], [], []>, transpose_lhs_hint = false} : vector<784x128xf32>, vector<128x128xf32>, vector<784x128xf32> -> vector<784x128xf32>
    %swap3A = arith.constant 0 : index
    %swap3A_6 = arith.constant 0 : index
    %swap3A_7 = vector.load %arg3[%swap3A, %swap3A_6] : memref<784x128xf32, #tpu.memory_space<vmem>>, vector<784x128xf32>
    tpu.vector_store %arg3[%swap3A, %swap3A_6], %dot_general3A_5 {strides = array<i32>} : memref<784x128xf32, #tpu.memory_space<vmem>>, vector<784x128xf32>,
    return
  }
  func.func @transform_0(%arg0: i32) -> (i32, i32) {
    %c0_i32 = arith.constant 0 : i32
    %c0_i32_0 = arith.constant 0 : i32
    return %arg0, %c0_i32 : i32, i32
  }
  func.func @transform_1(%arg0: i32) -> (i32, i32) {
    %c0_i32 = arith.constant 0 : i32
    %c0_i32_0 = arith.constant 0 : i32
    %c0_i32_1 = arith.constant 0 : i32
    return %c0_i32, %c0_i32_0 : i32, i32
  }
  func.func @transform_2(%arg0: i32) -> (i32, i32) {
    %c0_i32 = arith.constant 0 : i32
    %c0_i32_0 = arith.constant 0 : i32
    return %arg0, %c0_i32 : i32, i32
  }
}

module attributes {stable_mosaic.version = 14 : i64} {
  func.func @_stage_c_body(%arg0: i32, %arg1: memref<16x56x128xf32, #tpu.memory_space<vmem>>, %arg2: memref<16x49x128xf32, #tpu.memory_space<vmem>>, %arg3: memref<16x49x128xf32, #tpu.memory_space<vmem>>) attributes {dimension_semantics = [#tpu.dimension_semantics<arbitrary>], iteration_bounds = array<i64: 6>, scalar_prefetch = 0 : i64, scratch_operands = 0 : i64, tpu.core_type = #tpu.core_type<tc>, window_params = [{transform_indices = @transform_0, window_bounds = array<i64: 16, 56, 128>}, {transform_indices = @transform_1, window_bounds = array<i64: 16, 49, 128>}, {transform_indices = @transform_2, window_bounds = array<i64: 16, 49, 128>}]} {
    %get3A = arith.constant 0 : index
    %get3A_0 = arith.constant 0 : index
    %get3A_1 = arith.constant 0 : index
    %get3A_2 = vector.load %arg1[%get3A, %get3A_0, %get3A_1] : memref<16x56x128xf32, #tpu.memory_space<vmem>>, vector<1x56x128xf32>
    %get3A_3 = vector.shape_cast %get3A_2 : vector<1x56x128xf32> to vector<56x128xf32>
    %slice3A = vector.extract_strided_slice %get3A_3 {offsets = [0, 0], sizes = [49, 49], strides = [1, 1]} : vector<56x128xf32> to vector<49x49xf32>
    %get3A_4 = arith.constant 0 : index
    %get3A_5 = arith.constant 0 : index
    %get3A_6 = arith.constant 0 : index
    %get3A_7 = vector.load %arg2[%get3A_4, %get3A_5, %get3A_6] : memref<16x49x128xf32, #tpu.memory_space<vmem>>, vector<1x49x128xf32>
    %get3A_8 = vector.shape_cast %get3A_7 : vector<1x49x128xf32> to vector<49x128xf32>
    %dot_general3A = arith.constant dense<0.000000e+00> : vector<49x128xf32>
    %dot_general3A_9 = tpu.matmul %slice3A, %get3A_8, %dot_general3A {dimension_numbers = #tpu.dot_dimension_numbers<[1], [0], [0], [1], [0, 0, 1, 1], [], []>, transpose_lhs_hint = false} : vector<49x49xf32>, vector<49x128xf32>, vector<49x128xf32> -> vector<49x128xf32>
    %gt3A = arith.constant 0.000000e+00 : f32
    %gt3A_10 = vector.broadcast %gt3A : f32 to vector<49x128xf32>
    %gt3A_11 = arith.cmpf ogt, %dot_general3A_9, %gt3A_10 : vector<49x128xf32>
    %min3A = arith.constant 0.000000e+00 : f32
    %min3A_12 = vector.broadcast %min3A : f32 to vector<49x128xf32>
    %min3A_13 = arith.minimumf %dot_general3A_9, %min3A_12 : vector<49x128xf32>
    %exp3A = math.exp %min3A_13 : vector<49x128xf32>
    %sub3A = arith.constant 1.000000e+00 : f32
    %sub3A_14 = vector.broadcast %sub3A : f32 to vector<49x128xf32>
    %sub3A_15 = arith.subf %exp3A, %sub3A_14 : vector<49x128xf32>
    %select_n3A = arith.select %gt3A_11, %dot_general3A_9, %sub3A_15 : vector<49x128xi1>, vector<49x128xf32>
    %swap3A = arith.constant 0 : index
    %swap3A_16 = arith.constant 0 : index
    %swap3A_17 = arith.constant 0 : index
    %swap3A_18 = vector.load %arg3[%swap3A, %swap3A_16, %swap3A_17] : memref<16x49x128xf32, #tpu.memory_space<vmem>>, vector<1x49x128xf32>
    %swap3A_19 = vector.shape_cast %swap3A_18 : vector<1x49x128xf32> to vector<49x128xf32>
    %swap3A_20 = vector.shape_cast %select_n3A : vector<49x128xf32> to vector<1x49x128xf32>
    tpu.vector_store %arg3[%swap3A, %swap3A_16, %swap3A_17], %swap3A_20 {strides = array<i32>} : memref<16x49x128xf32, #tpu.memory_space<vmem>>, vector<1x49x128xf32>,
    %get3A_21 = arith.constant 1 : index
    %get3A_22 = arith.constant 0 : index
    %get3A_23 = arith.constant 0 : index
    %get3A_24 = vector.load %arg1[%get3A_21, %get3A_22, %get3A_23] : memref<16x56x128xf32, #tpu.memory_space<vmem>>, vector<1x56x128xf32>
    %get3A_25 = vector.shape_cast %get3A_24 : vector<1x56x128xf32> to vector<56x128xf32>
    %slice3A_26 = vector.extract_strided_slice %get3A_25 {offsets = [0, 0], sizes = [49, 49], strides = [1, 1]} : vector<56x128xf32> to vector<49x49xf32>
    %get3A_27 = arith.constant 1 : index
    %get3A_28 = arith.constant 0 : index
    %get3A_29 = arith.constant 0 : index
    %get3A_30 = vector.load %arg2[%get3A_27, %get3A_28, %get3A_29] : memref<16x49x128xf32, #tpu.memory_space<vmem>>, vector<1x49x128xf32>
    %get3A_31 = vector.shape_cast %get3A_30 : vector<1x49x128xf32> to vector<49x128xf32>
    %dot_general3A_32 = arith.constant dense<0.000000e+00> : vector<49x128xf32>
    %dot_general3A_33 = tpu.matmul %slice3A_26, %get3A_31, %dot_general3A_32 {dimension_numbers = #tpu.dot_dimension_numbers<[1], [0], [0], [1], [0, 0, 1, 1], [], []>, transpose_lhs_hint = false} : vector<49x49xf32>, vector<49x128xf32>, vector<49x128xf32> -> vector<49x128xf32>
    %gt3A_34 = arith.constant 0.000000e+00 : f32
    %gt3A_35 = vector.broadcast %gt3A_34 : f32 to vector<49x128xf32>
    %gt3A_36 = arith.cmpf ogt, %dot_general3A_33, %gt3A_35 : vector<49x128xf32>
    %min3A_37 = arith.constant 0.000000e+00 : f32
    %min3A_38 = vector.broadcast %min3A_37 : f32 to vector<49x128xf32>
    %min3A_39 = arith.minimumf %dot_general3A_33, %min3A_38 : vector<49x128xf32>
    %exp3A_40 = math.exp %min3A_39 : vector<49x128xf32>
    %sub3A_41 = arith.constant 1.000000e+00 : f32
    %sub3A_42 = vector.broadcast %sub3A_41 : f32 to vector<49x128xf32>
    %sub3A_43 = arith.subf %exp3A_40, %sub3A_42 : vector<49x128xf32>
    %select_n3A_44 = arith.select %gt3A_36, %dot_general3A_33, %sub3A_43 : vector<49x128xi1>, vector<49x128xf32>
    %swap3A_45 = arith.constant 1 : index
    %swap3A_46 = arith.constant 0 : index
    %swap3A_47 = arith.constant 0 : index
    %swap3A_48 = vector.load %arg3[%swap3A_45, %swap3A_46, %swap3A_47] : memref<16x49x128xf32, #tpu.memory_space<vmem>>, vector<1x49x128xf32>
    %swap3A_49 = vector.shape_cast %swap3A_48 : vector<1x49x128xf32> to vector<49x128xf32>
    %swap3A_50 = vector.shape_cast %select_n3A_44 : vector<49x128xf32> to vector<1x49x128xf32>
    tpu.vector_store %arg3[%swap3A_45, %swap3A_46, %swap3A_47], %swap3A_50 {strides = array<i32>} : memref<16x49x128xf32, #tpu.memory_space<vmem>>, vector<1x49x128xf32>,
    %get3A_51 = arith.constant 2 : index
    %get3A_52 = arith.constant 0 : index
    %get3A_53 = arith.constant 0 : index
    %get3A_54 = vector.load %arg1[%get3A_51, %get3A_52, %get3A_53] : memref<16x56x128xf32, #tpu.memory_space<vmem>>, vector<1x56x128xf32>
    %get3A_55 = vector.shape_cast %get3A_54 : vector<1x56x128xf32> to vector<56x128xf32>
    %slice3A_56 = vector.extract_strided_slice %get3A_55 {offsets = [0, 0], sizes = [49, 49], strides = [1, 1]} : vector<56x128xf32> to vector<49x49xf32>
    %get3A_57 = arith.constant 2 : index
    %get3A_58 = arith.constant 0 : index
    %get3A_59 = arith.constant 0 : index
    %get3A_60 = vector.load %arg2[%get3A_57, %get3A_58, %get3A_59] : memref<16x49x128xf32, #tpu.memory_space<vmem>>, vector<1x49x128xf32>
    %get3A_61 = vector.shape_cast %get3A_60 : vector<1x49x128xf32> to vector<49x128xf32>
    %dot_general3A_62 = arith.constant dense<0.000000e+00> : vector<49x128xf32>
    %dot_general3A_63 = tpu.matmul %slice3A_56, %get3A_61, %dot_general3A_62 {dimension_numbers = #tpu.dot_dimension_numbers<[1], [0], [0], [1], [0, 0, 1, 1], [], []>, transpose_lhs_hint = false} : vector<49x49xf32>, vector<49x128xf32>, vector<49x128xf32> -> vector<49x128xf32>
    %gt3A_64 = arith.constant 0.000000e+00 : f32
    %gt3A_65 = vector.broadcast %gt3A_64 : f32 to vector<49x128xf32>
    %gt3A_66 = arith.cmpf ogt, %dot_general3A_63, %gt3A_65 : vector<49x128xf32>
    %min3A_67 = arith.constant 0.000000e+00 : f32
    %min3A_68 = vector.broadcast %min3A_67 : f32 to vector<49x128xf32>
    %min3A_69 = arith.minimumf %dot_general3A_63, %min3A_68 : vector<49x128xf32>
    %exp3A_70 = math.exp %min3A_69 : vector<49x128xf32>
    %sub3A_71 = arith.constant 1.000000e+00 : f32
    %sub3A_72 = vector.broadcast %sub3A_71 : f32 to vector<49x128xf32>
    %sub3A_73 = arith.subf %exp3A_70, %sub3A_72 : vector<49x128xf32>
    %select_n3A_74 = arith.select %gt3A_66, %dot_general3A_63, %sub3A_73 : vector<49x128xi1>, vector<49x128xf32>
    %swap3A_75 = arith.constant 2 : index
    %swap3A_76 = arith.constant 0 : index
    %swap3A_77 = arith.constant 0 : index
    %swap3A_78 = vector.load %arg3[%swap3A_75, %swap3A_76, %swap3A_77] : memref<16x49x128xf32, #tpu.memory_space<vmem>>, vector<1x49x128xf32>
    %swap3A_79 = vector.shape_cast %swap3A_78 : vector<1x49x128xf32> to vector<49x128xf32>
    %swap3A_80 = vector.shape_cast %select_n3A_74 : vector<49x128xf32> to vector<1x49x128xf32>
    tpu.vector_store %arg3[%swap3A_75, %swap3A_76, %swap3A_77], %swap3A_80 {strides = array<i32>} : memref<16x49x128xf32, #tpu.memory_space<vmem>>, vector<1x49x128xf32>,
    %get3A_81 = arith.constant 3 : index
    %get3A_82 = arith.constant 0 : index
    %get3A_83 = arith.constant 0 : index
    %get3A_84 = vector.load %arg1[%get3A_81, %get3A_82, %get3A_83] : memref<16x56x128xf32, #tpu.memory_space<vmem>>, vector<1x56x128xf32>
    %get3A_85 = vector.shape_cast %get3A_84 : vector<1x56x128xf32> to vector<56x128xf32>
    %slice3A_86 = vector.extract_strided_slice %get3A_85 {offsets = [0, 0], sizes = [49, 49], strides = [1, 1]} : vector<56x128xf32> to vector<49x49xf32>
    %get3A_87 = arith.constant 3 : index
    %get3A_88 = arith.constant 0 : index
    %get3A_89 = arith.constant 0 : index
    %get3A_90 = vector.load %arg2[%get3A_87, %get3A_88, %get3A_89] : memref<16x49x128xf32, #tpu.memory_space<vmem>>, vector<1x49x128xf32>
    %get3A_91 = vector.shape_cast %get3A_90 : vector<1x49x128xf32> to vector<49x128xf32>
    %dot_general3A_92 = arith.constant dense<0.000000e+00> : vector<49x128xf32>
    %dot_general3A_93 = tpu.matmul %slice3A_86, %get3A_91, %dot_general3A_92 {dimension_numbers = #tpu.dot_dimension_numbers<[1], [0], [0], [1], [0, 0, 1, 1], [], []>, transpose_lhs_hint = false} : vector<49x49xf32>, vector<49x128xf32>, vector<49x128xf32> -> vector<49x128xf32>
    %gt3A_94 = arith.constant 0.000000e+00 : f32
    %gt3A_95 = vector.broadcast %gt3A_94 : f32 to vector<49x128xf32>
    %gt3A_96 = arith.cmpf ogt, %dot_general3A_93, %gt3A_95 : vector<49x128xf32>
    %min3A_97 = arith.constant 0.000000e+00 : f32
    %min3A_98 = vector.broadcast %min3A_97 : f32 to vector<49x128xf32>
    %min3A_99 = arith.minimumf %dot_general3A_93, %min3A_98 : vector<49x128xf32>
    %exp3A_100 = math.exp %min3A_99 : vector<49x128xf32>
    %sub3A_101 = arith.constant 1.000000e+00 : f32
    %sub3A_102 = vector.broadcast %sub3A_101 : f32 to vector<49x128xf32>
    %sub3A_103 = arith.subf %exp3A_100, %sub3A_102 : vector<49x128xf32>
    %select_n3A_104 = arith.select %gt3A_96, %dot_general3A_93, %sub3A_103 : vector<49x128xi1>, vector<49x128xf32>
    %swap3A_105 = arith.constant 3 : index
    %swap3A_106 = arith.constant 0 : index
    %swap3A_107 = arith.constant 0 : index
    %swap3A_108 = vector.load %arg3[%swap3A_105, %swap3A_106, %swap3A_107] : memref<16x49x128xf32, #tpu.memory_space<vmem>>, vector<1x49x128xf32>
    %swap3A_109 = vector.shape_cast %swap3A_108 : vector<1x49x128xf32> to vector<49x128xf32>
    %swap3A_110 = vector.shape_cast %select_n3A_104 : vector<49x128xf32> to vector<1x49x128xf32>
    tpu.vector_store %arg3[%swap3A_105, %swap3A_106, %swap3A_107], %swap3A_110 {strides = array<i32>} : memref<16x49x128xf32, #tpu.memory_space<vmem>>, vector<1x49x128xf32>,
    %get3A_111 = arith.constant 4 : index
    %get3A_112 = arith.constant 0 : index
    %get3A_113 = arith.constant 0 : index
    %get3A_114 = vector.load %arg1[%get3A_111, %get3A_112, %get3A_113] : memref<16x56x128xf32, #tpu.memory_space<vmem>>, vector<1x56x128xf32>
    %get3A_115 = vector.shape_cast %get3A_114 : vector<1x56x128xf32> to vector<56x128xf32>
    %slice3A_116 = vector.extract_strided_slice %get3A_115 {offsets = [0, 0], sizes = [49, 49], strides = [1, 1]} : vector<56x128xf32> to vector<49x49xf32>
    %get3A_117 = arith.constant 4 : index
    %get3A_118 = arith.constant 0 : index
    %get3A_119 = arith.constant 0 : index
    %get3A_120 = vector.load %arg2[%get3A_117, %get3A_118, %get3A_119] : memref<16x49x128xf32, #tpu.memory_space<vmem>>, vector<1x49x128xf32>
    %get3A_121 = vector.shape_cast %get3A_120 : vector<1x49x128xf32> to vector<49x128xf32>
    %dot_general3A_122 = arith.constant dense<0.000000e+00> : vector<49x128xf32>
    %dot_general3A_123 = tpu.matmul %slice3A_116, %get3A_121, %dot_general3A_122 {dimension_numbers = #tpu.dot_dimension_numbers<[1], [0], [0], [1], [0, 0, 1, 1], [], []>, transpose_lhs_hint = false} : vector<49x49xf32>, vector<49x128xf32>, vector<49x128xf32> -> vector<49x128xf32>
    %gt3A_124 = arith.constant 0.000000e+00 : f32
    %gt3A_125 = vector.broadcast %gt3A_124 : f32 to vector<49x128xf32>
    %gt3A_126 = arith.cmpf ogt, %dot_general3A_123, %gt3A_125 : vector<49x128xf32>
    %min3A_127 = arith.constant 0.000000e+00 : f32
    %min3A_128 = vector.broadcast %min3A_127 : f32 to vector<49x128xf32>
    %min3A_129 = arith.minimumf %dot_general3A_123, %min3A_128 : vector<49x128xf32>
    %exp3A_130 = math.exp %min3A_129 : vector<49x128xf32>
    %sub3A_131 = arith.constant 1.000000e+00 : f32
    %sub3A_132 = vector.broadcast %sub3A_131 : f32 to vector<49x128xf32>
    %sub3A_133 = arith.subf %exp3A_130, %sub3A_132 : vector<49x128xf32>
    %select_n3A_134 = arith.select %gt3A_126, %dot_general3A_123, %sub3A_133 : vector<49x128xi1>, vector<49x128xf32>
    %swap3A_135 = arith.constant 4 : index
    %swap3A_136 = arith.constant 0 : index
    %swap3A_137 = arith.constant 0 : index
    %swap3A_138 = vector.load %arg3[%swap3A_135, %swap3A_136, %swap3A_137] : memref<16x49x128xf32, #tpu.memory_space<vmem>>, vector<1x49x128xf32>
    %swap3A_139 = vector.shape_cast %swap3A_138 : vector<1x49x128xf32> to vector<49x128xf32>
    %swap3A_140 = vector.shape_cast %select_n3A_134 : vector<49x128xf32> to vector<1x49x128xf32>
    tpu.vector_store %arg3[%swap3A_135, %swap3A_136, %swap3A_137], %swap3A_140 {strides = array<i32>} : memref<16x49x128xf32, #tpu.memory_space<vmem>>, vector<1x49x128xf32>,
    %get3A_141 = arith.constant 5 : index
    %get3A_142 = arith.constant 0 : index
    %get3A_143 = arith.constant 0 : index
    %get3A_144 = vector.load %arg1[%get3A_141, %get3A_142, %get3A_143] : memref<16x56x128xf32, #tpu.memory_space<vmem>>, vector<1x56x128xf32>
    %get3A_145 = vector.shape_cast %get3A_144 : vector<1x56x128xf32> to vector<56x128xf32>
    %slice3A_146 = vector.extract_strided_slice %get3A_145 {offsets = [0, 0], sizes = [49, 49], strides = [1, 1]} : vector<56x128xf32> to vector<49x49xf32>
    %get3A_147 = arith.constant 5 : index
    %get3A_148 = arith.constant 0 : index
    %get3A_149 = arith.constant 0 : index
    %get3A_150 = vector.load %arg2[%get3A_147, %get3A_148, %get3A_149] : memref<16x49x128xf32, #tpu.memory_space<vmem>>, vector<1x49x128xf32>
    %get3A_151 = vector.shape_cast %get3A_150 : vector<1x49x128xf32> to vector<49x128xf32>
    %dot_general3A_152 = arith.constant dense<0.000000e+00> : vector<49x128xf32>
    %dot_general3A_153 = tpu.matmul %slice3A_146, %get3A_151, %dot_general3A_152 {dimension_numbers = #tpu.dot_dimension_numbers<[1], [0], [0], [1], [0, 0, 1, 1], [], []>, transpose_lhs_hint = false} : vector<49x49xf32>, vector<49x128xf32>, vector<49x128xf32> -> vector<49x128xf32>
    %gt3A_154 = arith.constant 0.000000e+00 : f32
    %gt3A_155 = vector.broadcast %gt3A_154 : f32 to vector<49x128xf32>
    %gt3A_156 = arith.cmpf ogt, %dot_general3A_153, %gt3A_155 : vector<49x128xf32>
    %min3A_157 = arith.constant 0.000000e+00 : f32
    %min3A_158 = vector.broadcast %min3A_157 : f32 to vector<49x128xf32>
    %min3A_159 = arith.minimumf %dot_general3A_153, %min3A_158 : vector<49x128xf32>
    %exp3A_160 = math.exp %min3A_159 : vector<49x128xf32>
    %sub3A_161 = arith.constant 1.000000e+00 : f32
    %sub3A_162 = vector.broadcast %sub3A_161 : f32 to vector<49x128xf32>
    %sub3A_163 = arith.subf %exp3A_160, %sub3A_162 : vector<49x128xf32>
    %select_n3A_164 = arith.select %gt3A_156, %dot_general3A_153, %sub3A_163 : vector<49x128xi1>, vector<49x128xf32>
    %swap3A_165 = arith.constant 5 : index
    %swap3A_166 = arith.constant 0 : index
    %swap3A_167 = arith.constant 0 : index
    %swap3A_168 = vector.load %arg3[%swap3A_165, %swap3A_166, %swap3A_167] : memref<16x49x128xf32, #tpu.memory_space<vmem>>, vector<1x49x128xf32>
    %swap3A_169 = vector.shape_cast %swap3A_168 : vector<1x49x128xf32> to vector<49x128xf32>
    %swap3A_170 = vector.shape_cast %select_n3A_164 : vector<49x128xf32> to vector<1x49x128xf32>
    tpu.vector_store %arg3[%swap3A_165, %swap3A_166, %swap3A_167], %swap3A_170 {strides = array<i32>} : memref<16x49x128xf32, #tpu.memory_space<vmem>>, vector<1x49x128xf32>,
    %get3A_171 = arith.constant 6 : index
    %get3A_172 = arith.constant 0 : index
    %get3A_173 = arith.constant 0 : index
    %get3A_174 = vector.load %arg1[%get3A_171, %get3A_172, %get3A_173] : memref<16x56x128xf32, #tpu.memory_space<vmem>>, vector<1x56x128xf32>
    %get3A_175 = vector.shape_cast %get3A_174 : vector<1x56x128xf32> to vector<56x128xf32>
    %slice3A_176 = vector.extract_strided_slice %get3A_175 {offsets = [0, 0], sizes = [49, 49], strides = [1, 1]} : vector<56x128xf32> to vector<49x49xf32>
    %get3A_177 = arith.constant 6 : index
    %get3A_178 = arith.constant 0 : index
    %get3A_179 = arith.constant 0 : index
    %get3A_180 = vector.load %arg2[%get3A_177, %get3A_178, %get3A_179] : memref<16x49x128xf32, #tpu.memory_space<vmem>>, vector<1x49x128xf32>
    %get3A_181 = vector.shape_cast %get3A_180 : vector<1x49x128xf32> to vector<49x128xf32>
    %dot_general3A_182 = arith.constant dense<0.000000e+00> : vector<49x128xf32>
    %dot_general3A_183 = tpu.matmul %slice3A_176, %get3A_181, %dot_general3A_182 {dimension_numbers = #tpu.dot_dimension_numbers<[1], [0], [0], [1], [0, 0, 1, 1], [], []>, transpose_lhs_hint = false} : vector<49x49xf32>, vector<49x128xf32>, vector<49x128xf32> -> vector<49x128xf32>
    %gt3A_184 = arith.constant 0.000000e+00 : f32
    %gt3A_185 = vector.broadcast %gt3A_184 : f32 to vector<49x128xf32>
    %gt3A_186 = arith.cmpf ogt, %dot_general3A_183, %gt3A_185 : vector<49x128xf32>
    %min3A_187 = arith.constant 0.000000e+00 : f32
    %min3A_188 = vector.broadcast %min3A_187 : f32 to vector<49x128xf32>
    %min3A_189 = arith.minimumf %dot_general3A_183, %min3A_188 : vector<49x128xf32>
    %exp3A_190 = math.exp %min3A_189 : vector<49x128xf32>
    %sub3A_191 = arith.constant 1.000000e+00 : f32
    %sub3A_192 = vector.broadcast %sub3A_191 : f32 to vector<49x128xf32>
    %sub3A_193 = arith.subf %exp3A_190, %sub3A_192 : vector<49x128xf32>
    %select_n3A_194 = arith.select %gt3A_186, %dot_general3A_183, %sub3A_193 : vector<49x128xi1>, vector<49x128xf32>
    %swap3A_195 = arith.constant 6 : index
    %swap3A_196 = arith.constant 0 : index
    %swap3A_197 = arith.constant 0 : index
    %swap3A_198 = vector.load %arg3[%swap3A_195, %swap3A_196, %swap3A_197] : memref<16x49x128xf32, #tpu.memory_space<vmem>>, vector<1x49x128xf32>
    %swap3A_199 = vector.shape_cast %swap3A_198 : vector<1x49x128xf32> to vector<49x128xf32>
    %swap3A_200 = vector.shape_cast %select_n3A_194 : vector<49x128xf32> to vector<1x49x128xf32>
    tpu.vector_store %arg3[%swap3A_195, %swap3A_196, %swap3A_197], %swap3A_200 {strides = array<i32>} : memref<16x49x128xf32, #tpu.memory_space<vmem>>, vector<1x49x128xf32>,
    %get3A_201 = arith.constant 7 : index
    %get3A_202 = arith.constant 0 : index
    %get3A_203 = arith.constant 0 : index
    %get3A_204 = vector.load %arg1[%get3A_201, %get3A_202, %get3A_203] : memref<16x56x128xf32, #tpu.memory_space<vmem>>, vector<1x56x128xf32>
    %get3A_205 = vector.shape_cast %get3A_204 : vector<1x56x128xf32> to vector<56x128xf32>
    %slice3A_206 = vector.extract_strided_slice %get3A_205 {offsets = [0, 0], sizes = [49, 49], strides = [1, 1]} : vector<56x128xf32> to vector<49x49xf32>
    %get3A_207 = arith.constant 7 : index
    %get3A_208 = arith.constant 0 : index
    %get3A_209 = arith.constant 0 : index
    %get3A_210 = vector.load %arg2[%get3A_207, %get3A_208, %get3A_209] : memref<16x49x128xf32, #tpu.memory_space<vmem>>, vector<1x49x128xf32>
    %get3A_211 = vector.shape_cast %get3A_210 : vector<1x49x128xf32> to vector<49x128xf32>
    %dot_general3A_212 = arith.constant dense<0.000000e+00> : vector<49x128xf32>
    %dot_general3A_213 = tpu.matmul %slice3A_206, %get3A_211, %dot_general3A_212 {dimension_numbers = #tpu.dot_dimension_numbers<[1], [0], [0], [1], [0, 0, 1, 1], [], []>, transpose_lhs_hint = false} : vector<49x49xf32>, vector<49x128xf32>, vector<49x128xf32> -> vector<49x128xf32>
    %gt3A_214 = arith.constant 0.000000e+00 : f32
    %gt3A_215 = vector.broadcast %gt3A_214 : f32 to vector<49x128xf32>
    %gt3A_216 = arith.cmpf ogt, %dot_general3A_213, %gt3A_215 : vector<49x128xf32>
    %min3A_217 = arith.constant 0.000000e+00 : f32
    %min3A_218 = vector.broadcast %min3A_217 : f32 to vector<49x128xf32>
    %min3A_219 = arith.minimumf %dot_general3A_213, %min3A_218 : vector<49x128xf32>
    %exp3A_220 = math.exp %min3A_219 : vector<49x128xf32>
    %sub3A_221 = arith.constant 1.000000e+00 : f32
    %sub3A_222 = vector.broadcast %sub3A_221 : f32 to vector<49x128xf32>
    %sub3A_223 = arith.subf %exp3A_220, %sub3A_222 : vector<49x128xf32>
    %select_n3A_224 = arith.select %gt3A_216, %dot_general3A_213, %sub3A_223 : vector<49x128xi1>, vector<49x128xf32>
    %swap3A_225 = arith.constant 7 : index
    %swap3A_226 = arith.constant 0 : index
    %swap3A_227 = arith.constant 0 : index
    %swap3A_228 = vector.load %arg3[%swap3A_225, %swap3A_226, %swap3A_227] : memref<16x49x128xf32, #tpu.memory_space<vmem>>, vector<1x49x128xf32>
    %swap3A_229 = vector.shape_cast %swap3A_228 : vector<1x49x128xf32> to vector<49x128xf32>
    %swap3A_230 = vector.shape_cast %select_n3A_224 : vector<49x128xf32> to vector<1x49x128xf32>
    tpu.vector_store %arg3[%swap3A_225, %swap3A_226, %swap3A_227], %swap3A_230 {strides = array<i32>} : memref<16x49x128xf32, #tpu.memory_space<vmem>>, vector<1x49x128xf32>,
    %get3A_231 = arith.constant 8 : index
    %get3A_232 = arith.constant 0 : index
    %get3A_233 = arith.constant 0 : index
    %get3A_234 = vector.load %arg1[%get3A_231, %get3A_232, %get3A_233] : memref<16x56x128xf32, #tpu.memory_space<vmem>>, vector<1x56x128xf32>
    %get3A_235 = vector.shape_cast %get3A_234 : vector<1x56x128xf32> to vector<56x128xf32>
    %slice3A_236 = vector.extract_strided_slice %get3A_235 {offsets = [0, 0], sizes = [49, 49], strides = [1, 1]} : vector<56x128xf32> to vector<49x49xf32>
    %get3A_237 = arith.constant 8 : index
    %get3A_238 = arith.constant 0 : index
    %get3A_239 = arith.constant 0 : index
    %get3A_240 = vector.load %arg2[%get3A_237, %get3A_238, %get3A_239] : memref<16x49x128xf32, #tpu.memory_space<vmem>>, vector<1x49x128xf32>
    %get3A_241 = vector.shape_cast %get3A_240 : vector<1x49x128xf32> to vector<49x128xf32>
    %dot_general3A_242 = arith.constant dense<0.000000e+00> : vector<49x128xf32>
    %dot_general3A_243 = tpu.matmul %slice3A_236, %get3A_241, %dot_general3A_242 {dimension_numbers = #tpu.dot_dimension_numbers<[1], [0], [0], [1], [0, 0, 1, 1], [], []>, transpose_lhs_hint = false} : vector<49x49xf32>, vector<49x128xf32>, vector<49x128xf32> -> vector<49x128xf32>
    %gt3A_244 = arith.constant 0.000000e+00 : f32
    %gt3A_245 = vector.broadcast %gt3A_244 : f32 to vector<49x128xf32>
    %gt3A_246 = arith.cmpf ogt, %dot_general3A_243, %gt3A_245 : vector<49x128xf32>
    %min3A_247 = arith.constant 0.000000e+00 : f32
    %min3A_248 = vector.broadcast %min3A_247 : f32 to vector<49x128xf32>
    %min3A_249 = arith.minimumf %dot_general3A_243, %min3A_248 : vector<49x128xf32>
    %exp3A_250 = math.exp %min3A_249 : vector<49x128xf32>
    %sub3A_251 = arith.constant 1.000000e+00 : f32
    %sub3A_252 = vector.broadcast %sub3A_251 : f32 to vector<49x128xf32>
    %sub3A_253 = arith.subf %exp3A_250, %sub3A_252 : vector<49x128xf32>
    %select_n3A_254 = arith.select %gt3A_246, %dot_general3A_243, %sub3A_253 : vector<49x128xi1>, vector<49x128xf32>
    %swap3A_255 = arith.constant 8 : index
    %swap3A_256 = arith.constant 0 : index
    %swap3A_257 = arith.constant 0 : index
    %swap3A_258 = vector.load %arg3[%swap3A_255, %swap3A_256, %swap3A_257] : memref<16x49x128xf32, #tpu.memory_space<vmem>>, vector<1x49x128xf32>
    %swap3A_259 = vector.shape_cast %swap3A_258 : vector<1x49x128xf32> to vector<49x128xf32>
    %swap3A_260 = vector.shape_cast %select_n3A_254 : vector<49x128xf32> to vector<1x49x128xf32>
    tpu.vector_store %arg3[%swap3A_255, %swap3A_256, %swap3A_257], %swap3A_260 {strides = array<i32>} : memref<16x49x128xf32, #tpu.memory_space<vmem>>, vector<1x49x128xf32>,
    %get3A_261 = arith.constant 9 : index
    %get3A_262 = arith.constant 0 : index
    %get3A_263 = arith.constant 0 : index
    %get3A_264 = vector.load %arg1[%get3A_261, %get3A_262, %get3A_263] : memref<16x56x128xf32, #tpu.memory_space<vmem>>, vector<1x56x128xf32>
    %get3A_265 = vector.shape_cast %get3A_264 : vector<1x56x128xf32> to vector<56x128xf32>
    %slice3A_266 = vector.extract_strided_slice %get3A_265 {offsets = [0, 0], sizes = [49, 49], strides = [1, 1]} : vector<56x128xf32> to vector<49x49xf32>
    %get3A_267 = arith.constant 9 : index
    %get3A_268 = arith.constant 0 : index
    %get3A_269 = arith.constant 0 : index
    %get3A_270 = vector.load %arg2[%get3A_267, %get3A_268, %get3A_269] : memref<16x49x128xf32, #tpu.memory_space<vmem>>, vector<1x49x128xf32>
    %get3A_271 = vector.shape_cast %get3A_270 : vector<1x49x128xf32> to vector<49x128xf32>
    %dot_general3A_272 = arith.constant dense<0.000000e+00> : vector<49x128xf32>
    %dot_general3A_273 = tpu.matmul %slice3A_266, %get3A_271, %dot_general3A_272 {dimension_numbers = #tpu.dot_dimension_numbers<[1], [0], [0], [1], [0, 0, 1, 1], [], []>, transpose_lhs_hint = false} : vector<49x49xf32>, vector<49x128xf32>, vector<49x128xf32> -> vector<49x128xf32>
    %gt3A_274 = arith.constant 0.000000e+00 : f32
    %gt3A_275 = vector.broadcast %gt3A_274 : f32 to vector<49x128xf32>
    %gt3A_276 = arith.cmpf ogt, %dot_general3A_273, %gt3A_275 : vector<49x128xf32>
    %min3A_277 = arith.constant 0.000000e+00 : f32
    %min3A_278 = vector.broadcast %min3A_277 : f32 to vector<49x128xf32>
    %min3A_279 = arith.minimumf %dot_general3A_273, %min3A_278 : vector<49x128xf32>
    %exp3A_280 = math.exp %min3A_279 : vector<49x128xf32>
    %sub3A_281 = arith.constant 1.000000e+00 : f32
    %sub3A_282 = vector.broadcast %sub3A_281 : f32 to vector<49x128xf32>
    %sub3A_283 = arith.subf %exp3A_280, %sub3A_282 : vector<49x128xf32>
    %select_n3A_284 = arith.select %gt3A_276, %dot_general3A_273, %sub3A_283 : vector<49x128xi1>, vector<49x128xf32>
    %swap3A_285 = arith.constant 9 : index
    %swap3A_286 = arith.constant 0 : index
    %swap3A_287 = arith.constant 0 : index
    %swap3A_288 = vector.load %arg3[%swap3A_285, %swap3A_286, %swap3A_287] : memref<16x49x128xf32, #tpu.memory_space<vmem>>, vector<1x49x128xf32>
    %swap3A_289 = vector.shape_cast %swap3A_288 : vector<1x49x128xf32> to vector<49x128xf32>
    %swap3A_290 = vector.shape_cast %select_n3A_284 : vector<49x128xf32> to vector<1x49x128xf32>
    tpu.vector_store %arg3[%swap3A_285, %swap3A_286, %swap3A_287], %swap3A_290 {strides = array<i32>} : memref<16x49x128xf32, #tpu.memory_space<vmem>>, vector<1x49x128xf32>,
    %get3A_291 = arith.constant 10 : index
    %get3A_292 = arith.constant 0 : index
    %get3A_293 = arith.constant 0 : index
    %get3A_294 = vector.load %arg1[%get3A_291, %get3A_292, %get3A_293] : memref<16x56x128xf32, #tpu.memory_space<vmem>>, vector<1x56x128xf32>
    %get3A_295 = vector.shape_cast %get3A_294 : vector<1x56x128xf32> to vector<56x128xf32>
    %slice3A_296 = vector.extract_strided_slice %get3A_295 {offsets = [0, 0], sizes = [49, 49], strides = [1, 1]} : vector<56x128xf32> to vector<49x49xf32>
    %get3A_297 = arith.constant 10 : index
    %get3A_298 = arith.constant 0 : index
    %get3A_299 = arith.constant 0 : index
    %get3A_300 = vector.load %arg2[%get3A_297, %get3A_298, %get3A_299] : memref<16x49x128xf32, #tpu.memory_space<vmem>>, vector<1x49x128xf32>
    %get3A_301 = vector.shape_cast %get3A_300 : vector<1x49x128xf32> to vector<49x128xf32>
    %dot_general3A_302 = arith.constant dense<0.000000e+00> : vector<49x128xf32>
    %dot_general3A_303 = tpu.matmul %slice3A_296, %get3A_301, %dot_general3A_302 {dimension_numbers = #tpu.dot_dimension_numbers<[1], [0], [0], [1], [0, 0, 1, 1], [], []>, transpose_lhs_hint = false} : vector<49x49xf32>, vector<49x128xf32>, vector<49x128xf32> -> vector<49x128xf32>
    %gt3A_304 = arith.constant 0.000000e+00 : f32
    %gt3A_305 = vector.broadcast %gt3A_304 : f32 to vector<49x128xf32>
    %gt3A_306 = arith.cmpf ogt, %dot_general3A_303, %gt3A_305 : vector<49x128xf32>
    %min3A_307 = arith.constant 0.000000e+00 : f32
    %min3A_308 = vector.broadcast %min3A_307 : f32 to vector<49x128xf32>
    %min3A_309 = arith.minimumf %dot_general3A_303, %min3A_308 : vector<49x128xf32>
    %exp3A_310 = math.exp %min3A_309 : vector<49x128xf32>
    %sub3A_311 = arith.constant 1.000000e+00 : f32
    %sub3A_312 = vector.broadcast %sub3A_311 : f32 to vector<49x128xf32>
    %sub3A_313 = arith.subf %exp3A_310, %sub3A_312 : vector<49x128xf32>
    %select_n3A_314 = arith.select %gt3A_306, %dot_general3A_303, %sub3A_313 : vector<49x128xi1>, vector<49x128xf32>
    %swap3A_315 = arith.constant 10 : index
    %swap3A_316 = arith.constant 0 : index
    %swap3A_317 = arith.constant 0 : index
    %swap3A_318 = vector.load %arg3[%swap3A_315, %swap3A_316, %swap3A_317] : memref<16x49x128xf32, #tpu.memory_space<vmem>>, vector<1x49x128xf32>
    %swap3A_319 = vector.shape_cast %swap3A_318 : vector<1x49x128xf32> to vector<49x128xf32>
    %swap3A_320 = vector.shape_cast %select_n3A_314 : vector<49x128xf32> to vector<1x49x128xf32>
    tpu.vector_store %arg3[%swap3A_315, %swap3A_316, %swap3A_317], %swap3A_320 {strides = array<i32>} : memref<16x49x128xf32, #tpu.memory_space<vmem>>, vector<1x49x128xf32>,
    %get3A_321 = arith.constant 11 : index
    %get3A_322 = arith.constant 0 : index
    %get3A_323 = arith.constant 0 : index
    %get3A_324 = vector.load %arg1[%get3A_321, %get3A_322, %get3A_323] : memref<16x56x128xf32, #tpu.memory_space<vmem>>, vector<1x56x128xf32>
    %get3A_325 = vector.shape_cast %get3A_324 : vector<1x56x128xf32> to vector<56x128xf32>
    %slice3A_326 = vector.extract_strided_slice %get3A_325 {offsets = [0, 0], sizes = [49, 49], strides = [1, 1]} : vector<56x128xf32> to vector<49x49xf32>
    %get3A_327 = arith.constant 11 : index
    %get3A_328 = arith.constant 0 : index
    %get3A_329 = arith.constant 0 : index
    %get3A_330 = vector.load %arg2[%get3A_327, %get3A_328, %get3A_329] : memref<16x49x128xf32, #tpu.memory_space<vmem>>, vector<1x49x128xf32>
    %get3A_331 = vector.shape_cast %get3A_330 : vector<1x49x128xf32> to vector<49x128xf32>
    %dot_general3A_332 = arith.constant dense<0.000000e+00> : vector<49x128xf32>
    %dot_general3A_333 = tpu.matmul %slice3A_326, %get3A_331, %dot_general3A_332 {dimension_numbers = #tpu.dot_dimension_numbers<[1], [0], [0], [1], [0, 0, 1, 1], [], []>, transpose_lhs_hint = false} : vector<49x49xf32>, vector<49x128xf32>, vector<49x128xf32> -> vector<49x128xf32>
    %gt3A_334 = arith.constant 0.000000e+00 : f32
    %gt3A_335 = vector.broadcast %gt3A_334 : f32 to vector<49x128xf32>
    %gt3A_336 = arith.cmpf ogt, %dot_general3A_333, %gt3A_335 : vector<49x128xf32>
    %min3A_337 = arith.constant 0.000000e+00 : f32
    %min3A_338 = vector.broadcast %min3A_337 : f32 to vector<49x128xf32>
    %min3A_339 = arith.minimumf %dot_general3A_333, %min3A_338 : vector<49x128xf32>
    %exp3A_340 = math.exp %min3A_339 : vector<49x128xf32>
    %sub3A_341 = arith.constant 1.000000e+00 : f32
    %sub3A_342 = vector.broadcast %sub3A_341 : f32 to vector<49x128xf32>
    %sub3A_343 = arith.subf %exp3A_340, %sub3A_342 : vector<49x128xf32>
    %select_n3A_344 = arith.select %gt3A_336, %dot_general3A_333, %sub3A_343 : vector<49x128xi1>, vector<49x128xf32>
    %swap3A_345 = arith.constant 11 : index
    %swap3A_346 = arith.constant 0 : index
    %swap3A_347 = arith.constant 0 : index
    %swap3A_348 = vector.load %arg3[%swap3A_345, %swap3A_346, %swap3A_347] : memref<16x49x128xf32, #tpu.memory_space<vmem>>, vector<1x49x128xf32>
    %swap3A_349 = vector.shape_cast %swap3A_348 : vector<1x49x128xf32> to vector<49x128xf32>
    %swap3A_350 = vector.shape_cast %select_n3A_344 : vector<49x128xf32> to vector<1x49x128xf32>
    tpu.vector_store %arg3[%swap3A_345, %swap3A_346, %swap3A_347], %swap3A_350 {strides = array<i32>} : memref<16x49x128xf32, #tpu.memory_space<vmem>>, vector<1x49x128xf32>,
    %get3A_351 = arith.constant 12 : index
    %get3A_352 = arith.constant 0 : index
    %get3A_353 = arith.constant 0 : index
    %get3A_354 = vector.load %arg1[%get3A_351, %get3A_352, %get3A_353] : memref<16x56x128xf32, #tpu.memory_space<vmem>>, vector<1x56x128xf32>
    %get3A_355 = vector.shape_cast %get3A_354 : vector<1x56x128xf32> to vector<56x128xf32>
    %slice3A_356 = vector.extract_strided_slice %get3A_355 {offsets = [0, 0], sizes = [49, 49], strides = [1, 1]} : vector<56x128xf32> to vector<49x49xf32>
    %get3A_357 = arith.constant 12 : index
    %get3A_358 = arith.constant 0 : index
    %get3A_359 = arith.constant 0 : index
    %get3A_360 = vector.load %arg2[%get3A_357, %get3A_358, %get3A_359] : memref<16x49x128xf32, #tpu.memory_space<vmem>>, vector<1x49x128xf32>
    %get3A_361 = vector.shape_cast %get3A_360 : vector<1x49x128xf32> to vector<49x128xf32>
    %dot_general3A_362 = arith.constant dense<0.000000e+00> : vector<49x128xf32>
    %dot_general3A_363 = tpu.matmul %slice3A_356, %get3A_361, %dot_general3A_362 {dimension_numbers = #tpu.dot_dimension_numbers<[1], [0], [0], [1], [0, 0, 1, 1], [], []>, transpose_lhs_hint = false} : vector<49x49xf32>, vector<49x128xf32>, vector<49x128xf32> -> vector<49x128xf32>
    %gt3A_364 = arith.constant 0.000000e+00 : f32
    %gt3A_365 = vector.broadcast %gt3A_364 : f32 to vector<49x128xf32>
    %gt3A_366 = arith.cmpf ogt, %dot_general3A_363, %gt3A_365 : vector<49x128xf32>
    %min3A_367 = arith.constant 0.000000e+00 : f32
    %min3A_368 = vector.broadcast %min3A_367 : f32 to vector<49x128xf32>
    %min3A_369 = arith.minimumf %dot_general3A_363, %min3A_368 : vector<49x128xf32>
    %exp3A_370 = math.exp %min3A_369 : vector<49x128xf32>
    %sub3A_371 = arith.constant 1.000000e+00 : f32
    %sub3A_372 = vector.broadcast %sub3A_371 : f32 to vector<49x128xf32>
    %sub3A_373 = arith.subf %exp3A_370, %sub3A_372 : vector<49x128xf32>
    %select_n3A_374 = arith.select %gt3A_366, %dot_general3A_363, %sub3A_373 : vector<49x128xi1>, vector<49x128xf32>
    %swap3A_375 = arith.constant 12 : index
    %swap3A_376 = arith.constant 0 : index
    %swap3A_377 = arith.constant 0 : index
    %swap3A_378 = vector.load %arg3[%swap3A_375, %swap3A_376, %swap3A_377] : memref<16x49x128xf32, #tpu.memory_space<vmem>>, vector<1x49x128xf32>
    %swap3A_379 = vector.shape_cast %swap3A_378 : vector<1x49x128xf32> to vector<49x128xf32>
    %swap3A_380 = vector.shape_cast %select_n3A_374 : vector<49x128xf32> to vector<1x49x128xf32>
    tpu.vector_store %arg3[%swap3A_375, %swap3A_376, %swap3A_377], %swap3A_380 {strides = array<i32>} : memref<16x49x128xf32, #tpu.memory_space<vmem>>, vector<1x49x128xf32>,
    %get3A_381 = arith.constant 13 : index
    %get3A_382 = arith.constant 0 : index
    %get3A_383 = arith.constant 0 : index
    %get3A_384 = vector.load %arg1[%get3A_381, %get3A_382, %get3A_383] : memref<16x56x128xf32, #tpu.memory_space<vmem>>, vector<1x56x128xf32>
    %get3A_385 = vector.shape_cast %get3A_384 : vector<1x56x128xf32> to vector<56x128xf32>
    %slice3A_386 = vector.extract_strided_slice %get3A_385 {offsets = [0, 0], sizes = [49, 49], strides = [1, 1]} : vector<56x128xf32> to vector<49x49xf32>
    %get3A_387 = arith.constant 13 : index
    %get3A_388 = arith.constant 0 : index
    %get3A_389 = arith.constant 0 : index
    %get3A_390 = vector.load %arg2[%get3A_387, %get3A_388, %get3A_389] : memref<16x49x128xf32, #tpu.memory_space<vmem>>, vector<1x49x128xf32>
    %get3A_391 = vector.shape_cast %get3A_390 : vector<1x49x128xf32> to vector<49x128xf32>
    %dot_general3A_392 = arith.constant dense<0.000000e+00> : vector<49x128xf32>
    %dot_general3A_393 = tpu.matmul %slice3A_386, %get3A_391, %dot_general3A_392 {dimension_numbers = #tpu.dot_dimension_numbers<[1], [0], [0], [1], [0, 0, 1, 1], [], []>, transpose_lhs_hint = false} : vector<49x49xf32>, vector<49x128xf32>, vector<49x128xf32> -> vector<49x128xf32>
    %gt3A_394 = arith.constant 0.000000e+00 : f32
    %gt3A_395 = vector.broadcast %gt3A_394 : f32 to vector<49x128xf32>
    %gt3A_396 = arith.cmpf ogt, %dot_general3A_393, %gt3A_395 : vector<49x128xf32>
    %min3A_397 = arith.constant 0.000000e+00 : f32
    %min3A_398 = vector.broadcast %min3A_397 : f32 to vector<49x128xf32>
    %min3A_399 = arith.minimumf %dot_general3A_393, %min3A_398 : vector<49x128xf32>
    %exp3A_400 = math.exp %min3A_399 : vector<49x128xf32>
    %sub3A_401 = arith.constant 1.000000e+00 : f32
    %sub3A_402 = vector.broadcast %sub3A_401 : f32 to vector<49x128xf32>
    %sub3A_403 = arith.subf %exp3A_400, %sub3A_402 : vector<49x128xf32>
    %select_n3A_404 = arith.select %gt3A_396, %dot_general3A_393, %sub3A_403 : vector<49x128xi1>, vector<49x128xf32>
    %swap3A_405 = arith.constant 13 : index
    %swap3A_406 = arith.constant 0 : index
    %swap3A_407 = arith.constant 0 : index
    %swap3A_408 = vector.load %arg3[%swap3A_405, %swap3A_406, %swap3A_407] : memref<16x49x128xf32, #tpu.memory_space<vmem>>, vector<1x49x128xf32>
    %swap3A_409 = vector.shape_cast %swap3A_408 : vector<1x49x128xf32> to vector<49x128xf32>
    %swap3A_410 = vector.shape_cast %select_n3A_404 : vector<49x128xf32> to vector<1x49x128xf32>
    tpu.vector_store %arg3[%swap3A_405, %swap3A_406, %swap3A_407], %swap3A_410 {strides = array<i32>} : memref<16x49x128xf32, #tpu.memory_space<vmem>>, vector<1x49x128xf32>,
    %get3A_411 = arith.constant 14 : index
    %get3A_412 = arith.constant 0 : index
    %get3A_413 = arith.constant 0 : index
    %get3A_414 = vector.load %arg1[%get3A_411, %get3A_412, %get3A_413] : memref<16x56x128xf32, #tpu.memory_space<vmem>>, vector<1x56x128xf32>
    %get3A_415 = vector.shape_cast %get3A_414 : vector<1x56x128xf32> to vector<56x128xf32>
    %slice3A_416 = vector.extract_strided_slice %get3A_415 {offsets = [0, 0], sizes = [49, 49], strides = [1, 1]} : vector<56x128xf32> to vector<49x49xf32>
    %get3A_417 = arith.constant 14 : index
    %get3A_418 = arith.constant 0 : index
    %get3A_419 = arith.constant 0 : index
    %get3A_420 = vector.load %arg2[%get3A_417, %get3A_418, %get3A_419] : memref<16x49x128xf32, #tpu.memory_space<vmem>>, vector<1x49x128xf32>
    %get3A_421 = vector.shape_cast %get3A_420 : vector<1x49x128xf32> to vector<49x128xf32>
    %dot_general3A_422 = arith.constant dense<0.000000e+00> : vector<49x128xf32>
    %dot_general3A_423 = tpu.matmul %slice3A_416, %get3A_421, %dot_general3A_422 {dimension_numbers = #tpu.dot_dimension_numbers<[1], [0], [0], [1], [0, 0, 1, 1], [], []>, transpose_lhs_hint = false} : vector<49x49xf32>, vector<49x128xf32>, vector<49x128xf32> -> vector<49x128xf32>
    %gt3A_424 = arith.constant 0.000000e+00 : f32
    %gt3A_425 = vector.broadcast %gt3A_424 : f32 to vector<49x128xf32>
    %gt3A_426 = arith.cmpf ogt, %dot_general3A_423, %gt3A_425 : vector<49x128xf32>
    %min3A_427 = arith.constant 0.000000e+00 : f32
    %min3A_428 = vector.broadcast %min3A_427 : f32 to vector<49x128xf32>
    %min3A_429 = arith.minimumf %dot_general3A_423, %min3A_428 : vector<49x128xf32>
    %exp3A_430 = math.exp %min3A_429 : vector<49x128xf32>
    %sub3A_431 = arith.constant 1.000000e+00 : f32
    %sub3A_432 = vector.broadcast %sub3A_431 : f32 to vector<49x128xf32>
    %sub3A_433 = arith.subf %exp3A_430, %sub3A_432 : vector<49x128xf32>
    %select_n3A_434 = arith.select %gt3A_426, %dot_general3A_423, %sub3A_433 : vector<49x128xi1>, vector<49x128xf32>
    %swap3A_435 = arith.constant 14 : index
    %swap3A_436 = arith.constant 0 : index
    %swap3A_437 = arith.constant 0 : index
    %swap3A_438 = vector.load %arg3[%swap3A_435, %swap3A_436, %swap3A_437] : memref<16x49x128xf32, #tpu.memory_space<vmem>>, vector<1x49x128xf32>
    %swap3A_439 = vector.shape_cast %swap3A_438 : vector<1x49x128xf32> to vector<49x128xf32>
    %swap3A_440 = vector.shape_cast %select_n3A_434 : vector<49x128xf32> to vector<1x49x128xf32>
    tpu.vector_store %arg3[%swap3A_435, %swap3A_436, %swap3A_437], %swap3A_440 {strides = array<i32>} : memref<16x49x128xf32, #tpu.memory_space<vmem>>, vector<1x49x128xf32>,
    %get3A_441 = arith.constant 15 : index
    %get3A_442 = arith.constant 0 : index
    %get3A_443 = arith.constant 0 : index
    %get3A_444 = vector.load %arg1[%get3A_441, %get3A_442, %get3A_443] : memref<16x56x128xf32, #tpu.memory_space<vmem>>, vector<1x56x128xf32>
    %get3A_445 = vector.shape_cast %get3A_444 : vector<1x56x128xf32> to vector<56x128xf32>
    %slice3A_446 = vector.extract_strided_slice %get3A_445 {offsets = [0, 0], sizes = [49, 49], strides = [1, 1]} : vector<56x128xf32> to vector<49x49xf32>
    %get3A_447 = arith.constant 15 : index
    %get3A_448 = arith.constant 0 : index
    %get3A_449 = arith.constant 0 : index
    %get3A_450 = vector.load %arg2[%get3A_447, %get3A_448, %get3A_449] : memref<16x49x128xf32, #tpu.memory_space<vmem>>, vector<1x49x128xf32>
    %get3A_451 = vector.shape_cast %get3A_450 : vector<1x49x128xf32> to vector<49x128xf32>
    %dot_general3A_452 = arith.constant dense<0.000000e+00> : vector<49x128xf32>
    %dot_general3A_453 = tpu.matmul %slice3A_446, %get3A_451, %dot_general3A_452 {dimension_numbers = #tpu.dot_dimension_numbers<[1], [0], [0], [1], [0, 0, 1, 1], [], []>, transpose_lhs_hint = false} : vector<49x49xf32>, vector<49x128xf32>, vector<49x128xf32> -> vector<49x128xf32>
    %gt3A_454 = arith.constant 0.000000e+00 : f32
    %gt3A_455 = vector.broadcast %gt3A_454 : f32 to vector<49x128xf32>
    %gt3A_456 = arith.cmpf ogt, %dot_general3A_453, %gt3A_455 : vector<49x128xf32>
    %min3A_457 = arith.constant 0.000000e+00 : f32
    %min3A_458 = vector.broadcast %min3A_457 : f32 to vector<49x128xf32>
    %min3A_459 = arith.minimumf %dot_general3A_453, %min3A_458 : vector<49x128xf32>
    %exp3A_460 = math.exp %min3A_459 : vector<49x128xf32>
    %sub3A_461 = arith.constant 1.000000e+00 : f32
    %sub3A_462 = vector.broadcast %sub3A_461 : f32 to vector<49x128xf32>
    %sub3A_463 = arith.subf %exp3A_460, %sub3A_462 : vector<49x128xf32>
    %select_n3A_464 = arith.select %gt3A_456, %dot_general3A_453, %sub3A_463 : vector<49x128xi1>, vector<49x128xf32>
    %swap3A_465 = arith.constant 15 : index
    %swap3A_466 = arith.constant 0 : index
    %swap3A_467 = arith.constant 0 : index
    %swap3A_468 = vector.load %arg3[%swap3A_465, %swap3A_466, %swap3A_467] : memref<16x49x128xf32, #tpu.memory_space<vmem>>, vector<1x49x128xf32>
    %swap3A_469 = vector.shape_cast %swap3A_468 : vector<1x49x128xf32> to vector<49x128xf32>
    %swap3A_470 = vector.shape_cast %select_n3A_464 : vector<49x128xf32> to vector<1x49x128xf32>
    tpu.vector_store %arg3[%swap3A_465, %swap3A_466, %swap3A_467], %swap3A_470 {strides = array<i32>} : memref<16x49x128xf32, #tpu.memory_space<vmem>>, vector<1x49x128xf32>,
    return
  }
  func.func @transform_0(%arg0: i32) -> (i32, i32, i32) {
    %c0_i32 = arith.constant 0 : i32
    %c0_i32_0 = arith.constant 0 : i32
    %c0_i32_1 = arith.constant 0 : i32
    return %arg0, %c0_i32, %c0_i32_0 : i32, i32, i32
  }
  func.func @transform_1(%arg0: i32) -> (i32, i32, i32) {
    %c0_i32 = arith.constant 0 : i32
    %c0_i32_0 = arith.constant 0 : i32
    %c0_i32_1 = arith.constant 0 : i32
    return %arg0, %c0_i32, %c0_i32_0 : i32, i32, i32
  }
  func.func @transform_2(%arg0: i32) -> (i32, i32, i32) {
    %c0_i32 = arith.constant 0 : i32
    %c0_i32_0 = arith.constant 0 : i32
    %c0_i32_1 = arith.constant 0 : i32
    return %arg0, %c0_i32, %c0_i32_0 : i32, i32, i32
  }
}

</mosaic_0001>

<sc_bundles>
// kernel: kernel.6.cloned.1.call-start
scs
__scs_entry_jumppad:
0x0: {  	(pc) =	sbr.rel $0x88, $3  }
0x1: {  	(tag) =	ssettag $0x0;
	lr =	simm.s32 $0x1  }
0x2: {  	[smem:$0x3F9C] =	sst lr;
	_ =	strace $0xD0000000  }
0x3: {  	_ = 	snop  }
0x4: {  	_ = 	snop  }
0x5: {  	_ = 	snop  }
0x6: {  	_ = 	snop  }
0x7: {  	_ = 	snop  }
__scs_overlays_trampoline_lowered:
0x8: {  	[smem:$0x3FAB] =	sst s0  }
0x9: {  	[smem:$0x3FAC] =	sst s1  }
0xa: {  	[smem:$0x3FAD] =	sst s2  }
0xb: {  	[smem:$0x3FAE] =	sst s3  }
0xc: {  	[smem:$0x3FAF] =	sst s4  }
0xd: {  	[smem:$0x3FB0] =	sst s5  }
0xe: {  	[smem:$0x3FB1] =	sst s6  }
0xf: {  	[smem:$0x3FB2] =	sst s7  }
0x10: {  	[smem:$0x3FB3] =	sst s8  }
0x11: {  	[smem:$0x3FB4] =	sst s9;
	s0 =	simm.s32 @!p0 $0x0  }
0x12: {  	s1 =	sld [smem:$0x3F9A];
	s0 =	simm.s32 @p0 $0x1  }
0x13: {  	[smem:$0x3FB5] =	sst s0;
	s0 =	simm.s32 @!p1 $0x0  }
0x14: {  	s2 =	sld [smem:$0x3F99];
	s0 =	simm.s32 @p1 $0x1  }
0x15: {  	[smem:$0x3FB6] =	sst s0;
	s0 =	simm.s32 @!p2 $0x0  }
0x16: {  	s3 =	sld [smem:$0x3FDB];
	s0 =	simm.s32 @p2 $0x1  }
0x17: {  	s4 =	simm.s32 $0x1BF5;
	[smem:$0x3FB8] =	sst s0  }
0x18: {  	s0 =	sld [smem:$0x3F9B];
	_ =	swait.ge [sflag:s4], $0x0  }
0x19: {  	s7 =	sld [smem:$0x3F9C]  }
0x1a: {  	s8 =	sadd.s32 $0xFFFFE003, lr  }
0x1b: {  	s9 =	sadd.s32 $0xFFFFFEF7, lr;
	s5 =	simm.s32 $0xFFFFFFFF;
	p2 =	slt.u32 s8, $0xFFFFF086  }
0x1c: {  	p1 =	slt.u32 s9, $0xF7A;
	s5 =	simm.s32 @!p2 $0x0  }
0x1d: {  	s5 =	simm.s32 @p1 $0x1;
	p0 =	seq.s32 s7, s2  }
0x1e: {  	s7 =	smul.u32 @!p0 $0xF7A, s2;
	p2 =	seq.s32 @!p0 s5, $0x0  }
0x1f: {  	s9 =	smul.u32 $0xF7A, s1;
	s8 =	simm.s32 @!p0 $0x1BF5;
	p2 =	por !p2, p0  }
0x20: {  	[sflag:s8] =	ssyncset.s32 @!p0 $0xFFFFF086;
	s6 =	sadd.s32 @!p0 s3, s7;
	s7 =	simm.s32 @!p0 $0x108  }
0x21: {  	s3 =	sadd.s32 s3, s9;
	s6 =	sadd.s32 @!p0 $0x88, s6;
	s7 =	simm.s32 @p2 $0x1082  }
0x22: {  	[simem:s7], [sflag:s8] =	dma.local @!p0 [hbm:s6], $0xF7A  }
0x23: {  	s9 =	sor.u32 $0xD0000000, s2;
	s6 =	simm.s32 $0x108;
	_ =	swait.ge @!p0 [sflag:s8], $0x0  }
0x24: {  	s3 =	sadd.s32 $0x88, s3;
	s6 =	simm.s32 @!p1 $0x1082;
	[sflag:s4] =	ssyncset.s32 $0xFFFFF086  }
0x25: {  	[simem:s6], [sflag:s4] =	dma.local [hbm:s3], $0xF7A  }
0x26: {  	[smem:$0x3F9C] =	sst s1;
	(tag) =	ssettag s2;
	_ =	strace s9  }
0x27: {  	s1 =	sld [smem:$0x3FAC]  }
0x28: {  	s2 =	sld [smem:$0x3FAD]  }
0x29: {  	s4 =	sld [smem:$0x3FAF]  }
0x2a: {  	p0 =	seq.s32 s5, $0x0;
	s5 =	sld [smem:$0x3FB0]  }
0x2b: {  	s6 =	sld [smem:$0x3FB1]  }
0x2c: {  	s7 =	sld [smem:$0x3FB2]  }
0x2d: {  	s3 =	simm.s32 $0x108;
	s8 =	sld [smem:$0x3FB3]  }
0x2e: {  	s3 =	simm.s32 @!p0 $0x1082;
	s9 =	sld [smem:$0x3FB4]  }
0x2f: {  	lr =	sadd.s32 s0, s3;
	s0 =	sld [smem:$0x3FAB]  }
0x30: {  	s3 =	sld [smem:$0x3FAE]  }
0x31: {  	[smem:$0x3FB7] =	sst s10  }
0x32: {  	s10 =	sld [smem:$0x3FB5];
	_ =	sdelay $0x3  }
0x33: {  	p0 =	seq.s32 s10, $0x1;
	s10 =	sld [smem:$0x3FB7];
	_ =	sdelay $0x3  }
0x34: {  	[smem:$0x3FB7] =	sst s10  }
0x35: {  	s10 =	sld [smem:$0x3FB6];
	_ =	sdelay $0x3  }
0x36: {  	p1 =	seq.s32 s10, $0x1;
	s10 =	sld [smem:$0x3FB7];
	_ =	sdelay $0x3  }
0x37: {  	[smem:$0x3FB7] =	sst s10  }
0x38: {  	s10 =	sld [smem:$0x3FB8]  }
0x39: {  	_ = 	snop;
	(pc) =	sbr.ind lr, $3  }
0x3a: {  	_ = 	snop  }
0x3b: {  	_ = 	snop  }
0x3c: {  	p2 =	seq.s32 s10, $0x1;
	s10 =	sld [smem:$0x3FB7]  }
0x3d: {  	_ =	shalt  }
0x3e: {  	_ =	shalt  }
0x3f: {  	_ =	shalt  }
0x40: {  	_ =	shalt  }
0x41: {  	_ =	shalt  }
0x42: {  	_ =	shalt  }
0x43: {  	_ =	shalt  }
0x44: {  	_ =	shalt  }
0x45: {  	_ =	shalt  }
0x46: {  	_ =	shalt  }
0x47: {  	_ =	shalt  }
0x48: {  	_ =	shalt  }
0x49: {  	_ =	shalt  }
0x4a: {  	_ =	shalt  }
0x4b: {  	_ =	shalt  }
0x4c: {  	_ =	shalt  }
0x4d: {  	_ =	shalt  }
0x4e: {  	_ =	shalt  }
0x4f: {  	_ =	shalt  }
0x50: {  	_ =	shalt  }
0x51: {  	_ =	shalt  }
0x52: {  	_ =	shalt  }
0x53: {  	_ =	shalt  }
0x54: {  	_ =	shalt  }
0x55: {  	_ =	shalt  }
0x56: {  	_ =	shalt  }
0x57: {  	_ =	shalt  }
0x58: {  	_ =	shalt  }
0x59: {  	_ =	shalt  }
0x5a: {  	_ =	shalt  }
0x5b: {  	_ =	shalt  }
0x5c: {  	_ =	shalt  }
0x5d: {  	_ =	shalt  }
0x5e: {  	_ =	shalt  }
0x5f: {  	_ =	shalt  }
0x60: {  	_ =	shalt  }
0x61: {  	_ =	shalt  }
0x62: {  	_ =	shalt  }
0x63: {  	_ =	shalt  }
0x64: {  	_ =	shalt  }
0x65: {  	_ =	shalt  }
0x66: {  	_ =	shalt  }
0x67: {  	_ =	shalt  }
0x68: {  	_ =	shalt  }
0x69: {  	_ =	shalt  }
0x6a: {  	_ =	shalt  }
0x6b: {  	_ =	shalt  }
0x6c: {  	_ =	shalt  }
0x6d: {  	_ =	shalt  }
0x6e: {  	_ =	shalt  }
0x6f: {  	_ =	shalt  }
0x70: {  	_ =	shalt  }
0x71: {  	_ =	shalt  }
0x72: {  	_ =	shalt  }
0x73: {  	_ =	shalt  }
0x74: {  	_ =	shalt  }
0x75: {  	_ =	shalt  }
0x76: {  	_ =	shalt  }
0x77: {  	_ =	shalt  }
0x78: {  	_ =	shalt  }
0x79: {  	_ =	shalt  }
0x7a: {  	_ =	shalt  }
0x7b: {  	_ =	shalt  }
0x7c: {  	_ =	shalt  }
0x7d: {  	_ =	shalt  }
0x7e: {  	_ =	shalt  }
0x7f: {  	_ =	shalt  }
0x80: {  	_ =	shalt  }
0x81: {  	_ =	shalt  }
0x82: {  	_ =	shalt  }
0x83: {  	_ =	shalt  }
0x84: {  	_ =	shalt  }
0x85: {  	_ =	shalt  }
0x86: {  	_ =	shalt  }
0x87: {  	_ =	shalt  }
.Lfunc_end0:
.L_simem_size_0:
called_computation_lowered:
.L_overlay_start_0:
0x88: {  	s2 =	sld [smem:$0x3FD9]  }
0x89: {  	s3 =	sld [smem:$0x3FFE];
	_ =	sdelay $0x1  }
0x8a: {  	s1 =	srdreg.scid  }
0x8b: {  	s0 =	sand.u32 $0x1, s1  }
0x8c: {  	s17 =	sshll.u32 s0, $0xA;
	s2 =	sadd.s32 s3, s2  }
0x8d: {  	s2 =	sadd.s32 s2, s17  }
0x8e: {  	[smem:$0x3FC3] =	sst s2  }
0x8f: {  	_ = 	snop  }
0x90: {  	s2 =	sld [smem:$0x3FD0];
	(tm) =	ssettm $0x1  }
0x91: {  	s18 =	sld [smem:$0x3FFB];
	_ =	sdelay $0x3  }
0x92: {  	_ =	strace s18  }
0x93: {  	s3 =	sld [smem:$0x3FFC];
	_ =	sdelay $0x3  }
0x94: {  	_ =	strace s3  }
0x95: {  	s3 =	sld [smem:$0x3FFD];
	_ =	sdelay $0x3  }
0x96: {  	_ =	strace s3  }
0x97: {  	_ =	strace $0x8FFFFFFF  }
0x98: {  	s19 =	sld [smem:$0x3FDB];
	_ =	sdelay $0x1  }
0x99: {  	s4 =	simm.s32 $_scs_section_size  }
0x9a: {  	s5 =	simm.s32 $_size__tile_overlayer_lowered;
	s6 =	simm.s32 $_tile_overlayer_lowered  }
0x9b: {  	s22 =	simm.s32 $0x1BFF;
	s21 =	sshll.u32 s6, $0x1;
	s3 =	sadd.s32 s4, s19  }
0x9c: {  	s7 =	simm.s32 $0x0;
	s20 =	sshll.u32 s5, $0x1;
	s5 =	sadd.s32 s21, s3  }
0x9d: {  	[timem:s7], [sflag:s22] =	dma.local [hbm:s5], s20  }
0x9e: {  	_ =	swait.ge [sflag:s22], s20  }
0x9f: {  	s4 =	ssub.s32 $0x0, s20;
	[sflag:s22] =	ssyncset.done $0x0  }
0xa0: {  	[sflag:s22] =	ssyncadd.s32 s4;
	_ =	sdelay $0x1  }
0xa1: {  	s23 =	simm.s32 $0x1B8B  }
0xa2: {  	_ =	swait.ge [sflag:s23], $0x1  }
0xa3: {  	[sflag:s23] =	ssyncset.done $0x0  }
0xa4: {  	s25 =	simm.s32 $0x1B8E;
	s24 =	sld [smem:$0x3FFE];
	[sflag:s23] =	ssyncadd.s32 $0xFFFFFFFF  }
0xa5: {  	s26 =	simm.s32 $execute0_lowered;
	[smem:$0x3FD2] =	sst s25  }
0xa6: {  	s5 =	sshll.u32 s26, $0x1;
	_ =	strace $0x80000046;
	[dreg:$0x1] =	wrdreg $0xFFFFFFFF  }
0xa7: {  	s28 =	simm.s32 $_size_execute0_lowered;
	s3 =	sadd.s32 s3, s5;
	[dreg:$0x0] =	wrdreg $0x0  }
0xa8: {  	s5 =	sshll.u32 s28, $0x1;
	[dreg:$0x2] =	wrdreg s3  }
0xa9: {  	[dreg:$0x3] =	wrdreg s5  }
0xaa: {  	[dreg:$0x4] =	wrdreg $0xC0  }
0xab: {  	_ =	task [dreg:s7], $0x5FFFF  }
0xac: {  	[dreg:$0x1] =	wrdreg $0xFFFFFFFF  }
0xad: {  	[dreg:$0x0] =	wrdreg $0x60  }
0xae: {  	[dreg:$0x2] =	wrdreg s2  }
0xaf: {  	[dreg:$0x3] =	wrdreg s24  }
0xb0: {  	[dreg:$0x4] =	wrdreg $0x9  }
0xb1: {  	_ =	task.clear_ibuf [dreg:s7], $0x5FFFF;
	_ =	strace $0x90000046  }
0xb2: {  	s29 =	simm.s32 $0x9;
	_ =	strace $0x80000048  }
0xb3: {  	_ =	swait.ge [sflag:s29], $0x1  }
0xb4: {  	[sflag:s29] =	ssyncadd.s32 $0xFFFFFFFF  }
0xb5: {  	_ =	strace $0x90000048  }
0xb6: {  	_ =	sfence  }
0xb7: {  	s30 =	sld [smem:$0x0];
	_ =	sdelay $0x2  }
0xb8: {  	s31 =	sshll.u32 s1, $0xD;
	s1 =	sshrl.u32 s1, $0x2  }
0xb9: {  	s3 =	sand.u32 $0x4000, s31;
	s1 =	sadd.s32 s1, s30  }
0xba: {  	s0 =	sor.u32 s3, s0;
	s1 =	sshll.u32 s1, $0x11  }
0xbb: {  	s0 =	sor.u32 s1, s0  }
0xbc: {  	s0 =	sadd.s32 $0x8F2B, s0  }
0xbd: {  	[sflag:s0] =	ssyncadd.remote.s32 $0x1  }
0xbe: {  	_ =	sfence.sel $0xFFFF  }
0xbf: {  	[dreg:$0x0] =	wrdreg $0xFFFFFFFF;
	(pc) =	sbr.abs _section_cstart, $3  }
0xc0: {  	[dreg:$0x1] =	wrdreg $0xFFFFFFFF  }
0xc1: {  	_ =	task.clear_ibuf [dreg:s7], $0x2FFFF;
	_ =	strace $0x9FFFFFFF  }
0xc2: {  	(tm) =	ssettm $0x7FFFFFFF  }
0xc3: {  	_ =	shalt  }
tec
execute0_lowered:
.L_overlay_start_1:
0x0: {  	(tag) =	ssettag $0x1  }
0x1: {  	s1 =	srdreg.scid;
	s5 =	rddreg [dreg:$0x0]  }
0x2: {  	s0 =	stileid.u32;
	s6 =	rddreg [dreg:$0x1];
	s2 =	simm.s32 $0x0  }
0x3: {  	s17 =	simm.s32 $0x3;
	s18 =	simm.s32 $0x300;
	s19 =	simm.s32 $0x5  }
0x4: {  	s20 =	simm.s32 $0x2;
	s3 =	sand.u32 $0x1, s1;
	s31 =	sshll.u32 s0, $0x1  }
0x5: {  	s21 =	simm.s32 $0x4;
	s1 =	rddreg [dreg:$0x2];
	s4 =	sor.u32 s3, s31  }
0x6: {  	s22 =	simm.s32 $0x0;
	[smem:$0x7FF] =	sst s2;
	s7 =	smul.u32 $0x3, s4  }
0x7: {  	s11 =	sadd.s32 $0x600, s6;
	s14 =	sadd.s32 $0xC00, s6;
	s8 =	smul.u32 $0x3C, s4  }
0x8: {  	_ =	strace $0x80000047;
	s3 =	ssub.s32 $0x2, s3;
	s9 =	smul.u32 $0x24, s4  }
0x9: {  	s12 =	sshrl.u32 s3, $0x1;
	s15 =	smul.u32 $0xA80, s4;
	s7 =	sadd.s32 $0x1, s7  }
0xa: {  	s12 =	ssub.s32 s3, s12;
	s3 =	sadd.s32 s5, s8;
	s10 =	smul.u32 $0x14, s7  }
0xb: {  	s4 =	sadd.s32 s11, s9;
	s12 =	smax.u32 s12, $0x1;
	s13 =	smul.u32 $0xC, s7  }
0xc: {  	s16 =	smul.u32 $0x380, s7;
	s7 =	sadd.s32 s14, s15;
	s8 =	sadd.s32 $0x28, s3  }
0xd: {  	s9 =	sadd.s32 $0x18, s4;
	s15 =	simm.s32 $0x280;
	s5 =	sadd.s32 s5, s10  }
0xe: {  	s6 =	sadd.s32 s11, s13;
	s10 =	sadd.s32 s14, s16;
	s11 =	sadd.s32 $0x700, s7  }
0xf: {  	v0 =	vimm.f32 $0.0e+00;
	s13 =	simm.s32 $0x200;
	s14 =	simm.s32 $0x100;
	s16 =	simm.s32 $0x1  }
.LBB2_1:
0x10: {  	[tilespmem:s2], [sflag:$0x1] =	stream.linear.gather [hbm4b:s3+s2], $0xA0, $0x38;
	[tilespmem:$0x1F00] =	vst v63  }
0x11: {  	s24 =	simm.s32 $0x100;
	s23 =	simm.s32 $0x0  }
0x12: {  	[tilespmem:s13], [sflag:$0x3] =	stream.linear.gather [hbm4b:s4+s2], $0x60, $0x38;
	[tilespmem:$0x1F00] =	vst v63  }
.LBB2_2:
0x13: {  	p0 =	sne.s32 s24, $0x6F00;
	[tilespmem:s23+$0x330] =	vst v0;
	s25 =	smov.u32 s24;
	s24 =	sadd.s32 $0x100, s24  }
.Ltmp0:
0x14: {  	[tilespmem:s23+$0x320] =	vst v0;
	(pc) =	sbr.rel @p0 .LBB2_2-.Ltmp0, $3  }
0x15: {  	[tilespmem:s23+$0x300] =	vst v0  }
0x16: {  	[tilespmem:s23+$0x310] =	vst v0;
	_ =	sdelay $0x1  }
0x17: {  	s23 =	sshra.s32 s25, $0x2  }
0x18: {  	[tilespmem:s23+$0x330] =	vst v0  }
0x19: {  	[tilespmem:s23+$0x320] =	vst v0  }
0x1a: {  	[tilespmem:s23+$0x300] =	vst v0  }
0x1b: {  	[tilespmem:s23+$0x310] =	vst v0  }
0x1c: {  	[tilespmem:s14], [sflag:$0x2] =	stream.linear.gather [hbm4b:s5+s2], $0xA0, $0x38;
	[tilespmem:$0x1F00] =	vst v63  }
0x1d: {  	_ = 	snop  }
0x1e: {  	[tilespmem:s15], [sflag:$0x4] =	stream.linear.gather [hbm4b:s6+s2], $0x60, $0x38;
	[tilespmem:$0x1F00] =	vst v63  }
0x1f: {  	_ =	swait.ge [sflag:s16], $0xA0  }
0x20: {  	[sflag:s16] =	ssyncset.done $0x0  }
0x21: {  	[sflag:s16] =	ssyncadd.s32 $0xFFFFFF60  }
0x22: {  	_ =	swait.ge [sflag:s17], $0x60  }
0x23: {  	[sflag:s17] =	ssyncset.done $0x0  }
0x24: {  	[sflag:s17] =	ssyncadd.s32 $0xFFFFFFA0  }
0x25: {  	v1 =	vld [tilespmem:$0x230]  }
0x26: {  	v2 =	vld [tilespmem:$0x200]  }
0x27: {  	v3 =	vld [tilespmem:$0x240]  }
0x28: {  	v4 =	vld [tilespmem:$0x210]  }
0x29: {  	v7 =	vld [tilespmem:$0x220]  }
0x2a: {  	v6 =	vld [tilespmem:$0x250];
	_ =	sdelay $0x2  }
0x2b: {  	v5 =	vadd.s32 $0x38, v1  }
0x2c: {  	v11 =	vld [tilespmem:$0x70];
	v8 =	vadd.s32 $0x38, v3  }
0x2d: {  	v10 =	vadd.s32 $0x38, v6;
	v9 =	vld.idx.msk [tilespmem:v2+s2+$0x0], $0xffff  }
0x2e: {  	v12 =	vld.idx.msk [tilespmem:v4+s2+$0x0], $0xffff  }
0x2f: {  	v13 =	vld.idx.msk [tilespmem:v7+s2+$0x0], $0xffff  }
0x30: {  	v5 =	vld.idx.msk [tilespmem:v5+s2+$0x0], $0xffff  }
0x31: {  	v8 =	vld.idx.msk [tilespmem:v8+s2+$0x0], $0xffff  }
0x32: {  	v10 =	vld.idx.msk [tilespmem:v10+s2+$0x0], $0xffff  }
0x33: {  	v14 =	vld [tilespmem:$0x80]  }
0x34: {  	v15 =	vld [tilespmem:$0x90];
	_ =	sdelay $0x1  }
0x35: {  	v5 =	vadd.f32 v5, v9;
	v8 =	vadd.f32 v8, v12  }
0x36: {  	v51 =	vadd.f32 v10, v13  }
0x37: {  	v5 =	vadd.f32 v11, v5;
	v8 =	vadd.f32 v14, v8  }
0x38: {  	v9 =	vadd.f32 v15, v51  }
0x39: {  	v52 =	vmul.f32 $2.000000030e-01, v5;
	v53 =	vmul.f32 $2.000000030e-01, v8  }
0x3a: {  	vm0 =	vgt.f32 v5, $0.0e+00;
	vm1 =	vgt.f32 v8, $0.0e+00;
	v54 =	vmul.f32 $2.000000030e-01, v9  }
0x3b: {  	vm9 =	vgt.f32 v9, $0.0e+00;
	v5 =	vsel vm0, v5, v52;
	v8 =	vsel vm1, v8, v53  }
0x3c: {  	v9 =	vsel vm9, v9, v54;
	v10 =	vmax.f32 v5, v8  }
0x3d: {  	v10 =	vmax.f32 v10, v9  }
0x3e: {  	(xrf0) =	vmax.scan.msk.f32 $0xffff, v10;
	_ =	sdelay $0x5  }
0x3f: {  	v10, _, _ =	vpop (xrf0)  }
0x40: {  	v10 =	vbroadcast v10, $0xF;
	_ =	sdelay $0x1  }
0x41: {  	v5 =	vsub.f32 v5, v10  }
0x42: {  	v8 =	vsub.f32 v8, v10  }
0x43: {  	v5 =	vmul.f32 $1.442695020e+00, v5  }
0x44: {  	v9 =	vsub.f32 v9, v10;
	v8 =	vmul.f32 $1.442695020e+00, v8  }
0x45: {  	(erf) = vpow2.f32 v5  }
0x46: {  	v55 =	vmul.f32 $1.442695020e+00, v9;
	(erf) = vpow2.f32 v8;
	_ =	sdelay $0x1  }
0x47: {  	(erf) = vpow2.f32 v55;
	_ =	sdelay $0x5  }
0x48: {  	v56 =	vpop (erf)  }
0x49: {  	v8 =	vpop (erf)  }
0x4a: {  	v57 =	vadd.f32 v8, v56  }
0x4b: {  	v58 =	vpop (erf)  }
0x4c: {  	v9 =	vadd.f32 v57, v58;
	_ =	sdelay $0x1  }
0x4d: {  	(xrf2) =	vadd.scan.msk.f32 $0xffff, v9;
	_ =	sdelay $0x9  }
0x4e: {  	v9, _, _ =	vpop (xrf2)  }
0x4f: {  	v9 =	vbroadcast v9, $0xF;
	_ =	sdelay $0x1  }
0x50: {  	(erf) = vrcp.f32 v9;
	_ =	sdelay $0x5  }
0x51: {  	v59 =	vshll.u32 v1, $0x7  }
0x52: {  	v9 =	vadd.s32 v2, v59;
	v2 =	vshll.u32 v2, $0x7  }
0x53: {  	v1 =	vadd.s32 v2, v1;
	v2 =	vshll.u32 v3, $0x7  }
0x54: {  	v2 =	vadd.s32 v4, v2;
	v4 =	vshll.u32 v4, $0x7;
	v60 =	vpop (erf)  }
0x55: {  	v61 =	vshll.u32 v6, $0x7;
	v3 =	vadd.s32 v4, v3;
	v5 =	vmul.f32 v60, v56  }
0x56: {  	v4 =	vadd.s32 v7, v61;
	v7 =	vshll.u32 v7, $0x7  }
0x57: {  	v6 =	vadd.s32 v7, v6;
	v8 =	vmul.f32 v60, v8;
	[tilespmem:v9+s18+$0x0] =	vst.idx.add.f32.msk $0xffff, v5  }
0x58: {  	[tilespmem:v1+s18+$0x0] =	vst.idx.add.f32.msk $0xffff, v5  }
0x59: {  	v62 =	vmul.f32 v60, v58;
	[tilespmem:v2+s18+$0x0] =	vst.idx.add.f32.msk $0xffff, v8  }
0x5a: {  	[tilespmem:v3+s18+$0x0] =	vst.idx.add.f32.msk $0xffff, v8  }
0x5b: {  	[tilespmem:v4+s18+$0x0] =	vst.idx.add.f32.msk $0xffff, v62  }
0x5c: {  	[tilespmem:v6+s18+$0x0] =	vst.idx.add.f32.msk $0xffff, v62  }
0x5d: {  	[hbm4b:s7+s2] =	stream.linear.scatter [tilespmem:s18], [sflag:$0x5], $0x1C00, $0x38;
	[tilespmem:$0x1F00] =	vst v63  }
0x5e: {  	_ =	swait.ge [sflag:s19], $0x1C00  }
0x5f: {  	[sflag:s19] =	ssyncset.done $0x0  }
0x60: {  	[sflag:s19] =	ssyncadd.s32 $0xFFFFE400  }
0x61: {  	[tilespmem:v9+s18+$0x0] =	vst.idx.msk $0xffff, v0  }
0x62: {  	[tilespmem:v1+s18+$0x0] =	vst.idx.msk $0xffff, v0  }
0x63: {  	[tilespmem:v2+s18+$0x0] =	vst.idx.msk $0xffff, v0  }
0x64: {  	[tilespmem:v3+s18+$0x0] =	vst.idx.msk $0xffff, v0  }
0x65: {  	[tilespmem:v4+s18+$0x0] =	vst.idx.msk $0xffff, v0  }
0x66: {  	[tilespmem:v6+s18+$0x0] =	vst.idx.msk $0xffff, v0  }
0x67: {  	[tilespmem:s2], [sflag:$0x1] =	stream.linear.gather [hbm4b:s8+s2], $0xA0, $0x38;
	[tilespmem:$0x1F00] =	vst v63  }
0x68: {  	_ = 	snop  }
0x69: {  	[tilespmem:s13], [sflag:$0x3] =	stream.linear.gather [hbm4b:s9+s2], $0x60, $0x38;
	[tilespmem:$0x1F00] =	vst v63  }
0x6a: {  	_ =	swait.ge [sflag:s20], $0xA0  }
0x6b: {  	[sflag:s20] =	ssyncset.done $0x0  }
0x6c: {  	[sflag:s20] =	ssyncadd.s32 $0xFFFFFF60  }
0x6d: {  	_ =	swait.ge [sflag:s21], $0x60  }
0x6e: {  	[sflag:s21] =	ssyncset.done $0x0  }
0x6f: {  	[sflag:s21] =	ssyncadd.s32 $0xFFFFFFA0  }
0x70: {  	v1 =	vld [tilespmem:$0x2B0]  }
0x71: {  	v2 =	vld [tilespmem:$0x280]  }
0x72: {  	v3 =	vld [tilespmem:$0x2C0]  }
0x73: {  	v63 =	vld [tilespmem:$0x290]  }
0x74: {  	v19 =	vld [tilespmem:$0x2A0]  }
0x75: {  	v18 =	vld [tilespmem:$0x2D0];
	_ =	sdelay $0x2  }
0x76: {  	v17 =	vadd.s32 $0x38, v1  }
0x77: {  	v23 =	vld [tilespmem:$0x170];
	v20 =	vadd.s32 $0x38, v3  }
0x78: {  	v22 =	vadd.s32 $0x38, v18;
	v21 =	vld.idx.msk [tilespmem:v2+s14+$0x0], $0xffff  }
0x79: {  	v24 =	vld.idx.msk [tilespmem:v63+s14+$0x0], $0xffff  }
0x7a: {  	v25 =	vld.idx.msk [tilespmem:v19+s14+$0x0], $0xffff  }
0x7b: {  	v5 =	vld.idx.msk [tilespmem:v17+s14+$0x0], $0xffff  }
0x7c: {  	v8 =	vld.idx.msk [tilespmem:v20+s14+$0x0], $0xffff  }
0x7d: {  	v10 =	vld.idx.msk [tilespmem:v22+s14+$0x0], $0xffff  }
0x7e: {  	v26 =	vld [tilespmem:$0x180]  }
0x7f: {  	v27 =	vld [tilespmem:$0x190];
	_ =	sdelay $0x1  }
0x80: {  	v5 =	vadd.f32 v5, v21;
	v8 =	vadd.f32 v8, v24  }
0x81: {  	v28 =	vadd.f32 v10, v25  }
0x82: {  	v5 =	vadd.f32 v23, v5;
	v8 =	vadd.f32 v26, v8  }
0x83: {  	v9 =	vadd.f32 v27, v28  }
0x84: {  	v29 =	vmul.f32 $2.000000030e-01, v5;
	v30 =	vmul.f32 $2.000000030e-01, v8  }
0x85: {  	vm10 =	vgt.f32 v5, $0.0e+00;
	vm11 =	vgt.f32 v8, $0.0e+00;
	v31 =	vmul.f32 $2.000000030e-01, v9  }
0x86: {  	vm12 =	vgt.f32 v9, $0.0e+00;
	v5 =	vsel vm10, v5, v29;
	v8 =	vsel vm11, v8, v30  }
0x87: {  	v9 =	vsel vm12, v9, v31;
	v10 =	vmax.f32 v5, v8  }
0x88: {  	v10 =	vmax.f32 v10, v9  }
0x89: {  	(xrf0) =	vmax.scan.msk.f32 $0xffff, v10;
	_ =	sdelay $0x5  }
0x8a: {  	v10, _, _ =	vpop (xrf0)  }
0x8b: {  	v10 =	vbroadcast v10, $0xF;
	_ =	sdelay $0x1  }
0x8c: {  	v5 =	vsub.f32 v5, v10  }
0x8d: {  	v8 =	vsub.f32 v8, v10  }
0x8e: {  	v5 =	vmul.f32 $1.442695020e+00, v5  }
0x8f: {  	v9 =	vsub.f32 v9, v10;
	v8 =	vmul.f32 $1.442695020e+00, v8  }
0x90: {  	(erf) = vpow2.f32 v5  }
0x91: {  	v32 =	vmul.f32 $1.442695020e+00, v9;
	(erf) = vpow2.f32 v8;
	_ =	sdelay $0x1  }
0x92: {  	(erf) = vpow2.f32 v32;
	_ =	sdelay $0x5  }
0x93: {  	v33 =	vpop (erf)  }
0x94: {  	v8 =	vpop (erf)  }
0x95: {  	v34 =	vadd.f32 v8, v33  }
0x96: {  	v35 =	vpop (erf)  }
0x97: {  	v9 =	vadd.f32 v34, v35;
	_ =	sdelay $0x1  }
0x98: {  	(xrf2) =	vadd.scan.msk.f32 $0xffff, v9;
	_ =	sdelay $0x9  }
0x99: {  	v9, _, _ =	vpop (xrf2)  }
0x9a: {  	v9 =	vbroadcast v9, $0xF;
	_ =	sdelay $0x1  }
0x9b: {  	(erf) = vrcp.f32 v9;
	_ =	sdelay $0x5  }
0x9c: {  	v36 =	vshll.u32 v1, $0x7  }
0x9d: {  	v9 =	vadd.s32 v2, v36;
	v2 =	vshll.u32 v2, $0x7  }
0x9e: {  	v1 =	vadd.s32 v2, v1;
	v2 =	vshll.u32 v3, $0x7  }
0x9f: {  	v4 =	vshll.u32 v63, $0x7;
	v2 =	vadd.s32 v63, v2;
	v37 =	vpop (erf)  }
0xa0: {  	v38 =	vshll.u32 v18, $0x7;
	v3 =	vadd.s32 v4, v3;
	v5 =	vmul.f32 v37, v33  }
0xa1: {  	v7 =	vshll.u32 v19, $0x7;
	v4 =	vadd.s32 v19, v38  }
0xa2: {  	v6 =	vadd.s32 v7, v18;
	v8 =	vmul.f32 v37, v8;
	[tilespmem:v9+s18+$0x0] =	vst.idx.add.f32.msk $0xffff, v5  }
0xa3: {  	[tilespmem:v1+s18+$0x0] =	vst.idx.add.f32.msk $0xffff, v5  }
0xa4: {  	v39 =	vmul.f32 v37, v35;
	[tilespmem:v2+s18+$0x0] =	vst.idx.add.f32.msk $0xffff, v8  }
0xa5: {  	[tilespmem:v3+s18+$0x0] =	vst.idx.add.f32.msk $0xffff, v8  }
0xa6: {  	[tilespmem:v4+s18+$0x0] =	vst.idx.add.f32.msk $0xffff, v39  }
0xa7: {  	[tilespmem:v6+s18+$0x0] =	vst.idx.add.f32.msk $0xffff, v39  }
0xa8: {  	[hbm4b:s10+s2] =	stream.linear.scatter [tilespmem:s18], [sflag:$0x5], $0x1C00, $0x38;
	[tilespmem:$0x1F00] =	vst v63  }
0xa9: {  	_ =	swait.ge [sflag:s19], $0x1C00  }
0xaa: {  	[sflag:s19] =	ssyncset.done $0x0  }
0xab: {  	[sflag:s19] =	ssyncadd.s32 $0xFFFFE400  }
0xac: {  	[tilespmem:v9+s18+$0x0] =	vst.idx.msk $0xffff, v0  }
0xad: {  	[tilespmem:v1+s18+$0x0] =	vst.idx.msk $0xffff, v0  }
0xae: {  	[tilespmem:v2+s18+$0x0] =	vst.idx.msk $0xffff, v0  }
0xaf: {  	[tilespmem:v3+s18+$0x0] =	vst.idx.msk $0xffff, v0  }
0xb0: {  	[tilespmem:v4+s18+$0x0] =	vst.idx.msk $0xffff, v0  }
0xb1: {  	[tilespmem:v6+s18+$0x0] =	vst.idx.msk $0xffff, v0  }
0xb2: {  	_ =	swait.ge [sflag:s16], $0xA0  }
0xb3: {  	[sflag:s16] =	ssyncset.done $0x0  }
0xb4: {  	[sflag:s16] =	ssyncadd.s32 $0xFFFFFF60  }
0xb5: {  	_ =	swait.ge [sflag:s17], $0x60  }
0xb6: {  	[sflag:s17] =	ssyncset.done $0x0  }
0xb7: {  	[sflag:s17] =	ssyncadd.s32 $0xFFFFFFA0  }
0xb8: {  	v1 =	vld [tilespmem:$0x230]  }
0xb9: {  	v2 =	vld [tilespmem:$0x200]  }
0xba: {  	v3 =	vld [tilespmem:$0x240]  }
0xbb: {  	v40 =	vld [tilespmem:$0x210]  }
0xbc: {  	v43 =	vld [tilespmem:$0x220]  }
0xbd: {  	v42 =	vld [tilespmem:$0x250];
	_ =	sdelay $0x2  }
0xbe: {  	v41 =	vadd.s32 $0x38, v1  }
0xbf: {  	v47 =	vld [tilespmem:$0x70];
	v44 =	vadd.s32 $0x38, v3  }
0xc0: {  	v46 =	vadd.s32 $0x38, v42;
	v45 =	vld.idx.msk [tilespmem:v2+s2+$0x0], $0xffff  }
0xc1: {  	v48 =	vld.idx.msk [tilespmem:v40+s2+$0x0], $0xffff  }
0xc2: {  	v49 =	vld.idx.msk [tilespmem:v43+s2+$0x0], $0xffff  }
0xc3: {  	v5 =	vld.idx.msk [tilespmem:v41+s2+$0x0], $0xffff  }
0xc4: {  	v8 =	vld.idx.msk [tilespmem:v44+s2+$0x0], $0xffff  }
0xc5: {  	v10 =	vld.idx.msk [tilespmem:v46+s2+$0x0], $0xffff  }
0xc6: {  	v50 =	vld [tilespmem:$0x80]  }
0xc7: {  	v51 =	vld [tilespmem:$0x90];
	_ =	sdelay $0x1  }
0xc8: {  	v5 =	vadd.f32 v5, v45;
	v8 =	vadd.f32 v8, v48  }
0xc9: {  	v52 =	vadd.f32 v10, v49  }
0xca: {  	v5 =	vadd.f32 v47, v5;
	v8 =	vadd.f32 v50, v8  }
0xcb: {  	v9 =	vadd.f32 v51, v52  }
0xcc: {  	v53 =	vmul.f32 $2.000000030e-01, v5;
	v54 =	vmul.f32 $2.000000030e-01, v8  }
0xcd: {  	vm13 =	vgt.f32 v5, $0.0e+00;
	vm14 =	vgt.f32 v8, $0.0e+00;
	v55 =	vmul.f32 $2.000000030e-01, v9  }
0xce: {  	vm15 =	vgt.f32 v9, $0.0e+00;
	v5 =	vsel vm13, v5, v53;
	v8 =	vsel vm14, v8, v54  }
0xcf: {  	v9 =	vsel vm15, v9, v55;
	v10 =	vmax.f32 v5, v8  }
0xd0: {  	v10 =	vmax.f32 v10, v9  }
0xd1: {  	(xrf0) =	vmax.scan.msk.f32 $0xffff, v10;
	_ =	sdelay $0x5  }
0xd2: {  	v10, _, _ =	vpop (xrf0)  }
0xd3: {  	v10 =	vbroadcast v10, $0xF;
	_ =	sdelay $0x1  }
0xd4: {  	v5 =	vsub.f32 v5, v10  }
0xd5: {  	v8 =	vsub.f32 v8, v10  }
0xd6: {  	v5 =	vmul.f32 $1.442695020e+00, v5  }
0xd7: {  	v9 =	vsub.f32 v9, v10;
	v8 =	vmul.f32 $1.442695020e+00, v8  }
0xd8: {  	(erf) = vpow2.f32 v5  }
0xd9: {  	v56 =	vmul.f32 $1.442695020e+00, v9;
	(erf) = vpow2.f32 v8;
	_ =	sdelay $0x1  }
0xda: {  	(erf) = vpow2.f32 v56;
	_ =	sdelay $0x5  }
0xdb: {  	v57 =	vpop (erf)  }
0xdc: {  	v8 =	vpop (erf)  }
0xdd: {  	v58 =	vadd.f32 v8, v57  }
0xde: {  	v59 =	vpop (erf)  }
0xdf: {  	v9 =	vadd.f32 v58, v59;
	_ =	sdelay $0x1  }
0xe0: {  	(xrf2) =	vadd.scan.msk.f32 $0xffff, v9;
	_ =	sdelay $0x9  }
0xe1: {  	v9, _, _ =	vpop (xrf2)  }
0xe2: {  	v9 =	vbroadcast v9, $0xF;
	_ =	sdelay $0x1  }
0xe3: {  	(erf) = vrcp.f32 v9;
	_ =	sdelay $0x5  }
0xe4: {  	v60 =	vshll.u32 v1, $0x7  }
0xe5: {  	v9 =	vadd.s32 v2, v60;
	v2 =	vshll.u32 v2, $0x7  }
0xe6: {  	v1 =	vadd.s32 v2, v1;
	v2 =	vshll.u32 v3, $0x7  }
0xe7: {  	v4 =	vshll.u32 v40, $0x7;
	v2 =	vadd.s32 v40, v2;
	v61 =	vpop (erf)  }
0xe8: {  	v62 =	vshll.u32 v42, $0x7;
	v3 =	vadd.s32 v4, v3;
	v5 =	vmul.f32 v61, v57  }
0xe9: {  	v7 =	vshll.u32 v43, $0x7;
	v4 =	vadd.s32 v43, v62  }
0xea: {  	v6 =	vadd.s32 v7, v42;
	v8 =	vmul.f32 v61, v8;
	[tilespmem:v9+s18+$0x0] =	vst.idx.add.f32.msk $0xffff, v5  }
0xeb: {  	[tilespmem:v1+s18+$0x0] =	vst.idx.add.f32.msk $0xffff, v5  }
0xec: {  	v63 =	vmul.f32 v61, v59;
	[tilespmem:v2+s18+$0x0] =	vst.idx.add.f32.msk $0xffff, v8  }
0xed: {  	[tilespmem:v3+s18+$0x0] =	vst.idx.add.f32.msk $0xffff, v8  }
0xee: {  	[tilespmem:v4+s18+$0x0] =	vst.idx.add.f32.msk $0xffff, v63  }
0xef: {  	[tilespmem:v6+s18+$0x0] =	vst.idx.add.f32.msk $0xffff, v63  }
0xf0: {  	[hbm4b:s11+s2] =	stream.linear.scatter [tilespmem:s18], [sflag:$0x5], $0x1C00, $0x38;
	[tilespmem:$0x1F00] =	vst v63  }
0xf1: {  	_ =	swait.ge [sflag:s19], $0x1C00  }
0xf2: {  	[sflag:s19] =	ssyncset.done $0x0  }
0xf3: {  	s22 =	sadd.s32 $0x1, s22;
	[sflag:s19] =	ssyncadd.s32 $0xFFFFE400  }
0xf4: {  	p0 =	sne.s32 s22, s12;
	[tilespmem:v9+s18+$0x0] =	vst.idx.msk $0xffff, v0  }
.Ltmp1:
0xf5: {  	[tilespmem:v1+s18+$0x0] =	vst.idx.msk $0xffff, v0;
	(pc) =	sbr.rel @p0 .LBB2_1-.Ltmp1, $4  }
0xf6: {  	[tilespmem:v2+s18+$0x0] =	vst.idx.msk $0xffff, v0  }
0xf7: {  	[tilespmem:v3+s18+$0x0] =	vst.idx.msk $0xffff, v0  }
0xf8: {  	[tilespmem:v4+s18+$0x0] =	vst.idx.msk $0xffff, v0  }
0xf9: {  	[tilespmem:v6+s18+$0x0] =	vst.idx.msk $0xffff, v0  }
0xfa: {  	_ =	sfence.sel $0x180000  }
0xfb: {  	[bflag:$0x0] =	sbarrier.arrive $0xFFFF  }
0xfc: {  	p0 =	sne.s32 s0, $0x0;
	_ =	strace $0x90000047  }
0xfd: {  	s0 =	sadd.s32 @!p0 $0x100000, s1;
	[bflag:$0x2] =	sbarrier.arrive $0xFFFF  }
0xfe: {  	[sflag:s0] =	ssyncadd.tile.s32 @!p0 $0x1;
	_ =	shalt  }
.Lfunc_end2:
_tile_overlayer_lowered:
.L_overlay_start_2:
0xff: {  	(tag) =	ssettag $0x2  }
0x100: {  	s0 =	rddreg [dreg:$0x0];
	s2 =	stileid.u32  }
0x101: {  	s1 =	rddreg [dreg:$0x1];
	p0 =	sne.s32 s2, $0x0  }
0x102: {  	s3 =	rddreg [dreg:$0x2];
	[bflag:$0x3] =	sbarrier.arrive $0xFFFF;
	s2 =	simm.s32 @!p0 $0x1C05  }
0x103: {  	[timem:s3], [sflag:s2] =	dma.local @!p0 [hbm:s0], s1  }
0x104: {  	s0 =	simm.s32 @!p0 $0x5  }
0x105: {  	_ =	swait.ge @!p0 [sflag:s0], s1  }
0x106: {  	s1 =	ssub.s32 @!p0 $0x0, s1;
	[sflag:s0] =	ssyncset.done @!p0 $0x0  }
0x107: {  	[sflag:s0] =	ssyncadd.s32 @!p0 s1  }
0x108: {  	[bflag:$0x3] =	sbarrier.arrive $0xFFFF  }
0x109: {  	_ =	shalt  }

</sc_bundles>
